<compile_context>
chip_gen: v7x
topology: tpu7x:2x2x1
jax: 0.10.2.dev20260603
libtpu: 0.0.44.dev20260713+nightly
codegen_flags: <defaults>
</compile_context>

<pallas_src>
import functools

import jax
import jax.numpy as jnp
from jax import lax
from jax.experimental import pallas as pl
from jax.experimental.pallas import tpu as pltpu
from jax.experimental.pallas import tpu_sc as plsc

N = 10000
D = 128
E = 320000

NC = 2
NS = 16
C = 64
STG = 32
CH0 = 192
CH1 = 128
TOTCH = NS * (CH0 + CH1)
K1CH = TOTCH // (NC * NS)
EP = TOTCH * C
NPAD = 10240
RPT = NPAD // NS

_mesh = plsc.VectorSubcoreMesh(core_axis_name="c", subcore_axis_name="s")


@functools.partial(
    pl.kernel,
    out_type=jax.ShapeDtypeStruct((NC, NPAD), jnp.float32),
    mesh=_mesh,
    scratch_types=[
        pltpu.VMEM((K1CH, C), jnp.int32),
        pltpu.VMEM((C,), jnp.float32),
        pltpu.VMEM((RPT,), jnp.float32),
        pltpu.VMEM_SHARED((NPAD,), jnp.float32),
    ],
)
def _deg_kernel(dst_hbm, deg_out, idx_v, ones_v, zv, deg_sh):
    c = lax.axis_index("c")
    s = lax.axis_index("s")

    for i in range(C // 16):
        ones_v[pl.ds(i * 16, 16)] = jnp.ones((16,), jnp.float32)

    def _zero(i, _):
        zv[pl.ds(i * 16, 16)] = jnp.zeros((16,), jnp.float32)
        return 0

    lax.fori_loop(0, RPT // 16, _zero, 0)
    pltpu.sync_copy(zv, deg_sh.at[pl.ds(s * RPT, RPT)])
    plsc.subcore_barrier()

    wid = c * NS + s
    pltpu.sync_copy(dst_hbm.at[pl.ds(wid * K1CH, K1CH)], idx_v)

    def _body(j, _):
        pltpu.sync_copy(ones_v, deg_sh.at[idx_v.at[j]], add=True)
        return 0

    lax.fori_loop(0, K1CH, _body, 0)
    plsc.subcore_barrier()
    pltpu.sync_copy(deg_sh.at[pl.ds(s * RPT, RPT)], deg_out.at[c, pl.ds(s * RPT, RPT)])


def _mm_body(x_ref, w_ref, degp_ref, hs_ref):
    deg = degp_ref[0] + degp_ref[1] + 1.0
    dinv = jnp.where(deg > 0, lax.rsqrt(deg), 0.0)
    xs = x_ref[...] * dinv
    hs_ref[...] = jnp.dot(xs, w_ref[...], preferred_element_type=jnp.float32)


def _mm(Xp, W, degp):
    R = 2048
    grid = NPAD // R
    return pl.pallas_call(
        _mm_body,
        grid=(grid,),
        in_specs=[
            pl.BlockSpec((R, D), lambda i: (i, 0)),
            pl.BlockSpec((D, D), lambda i: (0, 0)),
            pl.BlockSpec((NC, R, 1), lambda i: (0, i, 0)),
        ],
        out_specs=pl.BlockSpec((R, D), lambda i: (i, 0)),
        out_shape=jax.ShapeDtypeStruct((NPAD, D), jnp.float32),
    )(Xp, W, degp)


@functools.partial(
    pl.kernel,
    out_type=jax.ShapeDtypeStruct((NC, NPAD, D), jnp.float32),
    mesh=_mesh,
    scratch_types=[
        pltpu.VMEM((STG, C), jnp.int32),
        pltpu.VMEM((STG, C), jnp.int32),
        pltpu.VMEM((2, C, D), jnp.float32),
        pltpu.VMEM_SHARED((NPAD, D), jnp.float32),
        pltpu.SemaphoreType.DMA,
        pltpu.SemaphoreType.DMA,
    ],
)
def _agg_kernel(
    hs_hbm, src_hbm, dst_hbm, out_hbm, src_idx, dst_idx, rows, acc_sh, sem0, sem1
):
    c = lax.axis_index("c")
    s = lax.axis_index("s")

    def _zero(i, _):
        for k in range(D // 16):
            rows[0, i, pl.ds(k * 16, 16)] = jnp.zeros((16,), jnp.float32)
        return 0

    lax.fori_loop(0, C, _zero, 0)
    for t in range(RPT // C):
        pltpu.sync_copy(rows.at[0], acc_sh.at[pl.ds(s * RPT + t * C, C)])
    plsc.subcore_barrier()

    sems = (sem0, sem1)

    def _step(j, buf):
        nxt = 1 - buf
        pltpu.async_copy(hs_hbm.at[src_idx.at[j + 1]], rows.at[nxt], sems[nxt])
        pltpu.make_async_copy(hs_hbm.at[src_idx.at[j]], rows.at[buf], sems[buf]).wait()
        pltpu.sync_copy(rows.at[buf], acc_sh.at[dst_idx.at[j]], add=True)

    def _body(jj, _):
        _step(jj * 2, 0)
        _step(jj * 2 + 1, 1)
        return 0

    base = jnp.where(c == 0, s * CH0, NS * CH0 + s * CH1)
    npasses = jnp.where(c == 0, CH0 // STG, CH1 // STG)

    def _pass(p, _):
        off = base + p * STG
        pltpu.sync_copy(src_hbm.at[pl.ds(off, STG)], src_idx)
        pltpu.sync_copy(dst_hbm.at[pl.ds(off, STG)], dst_idx)
        pltpu.async_copy(hs_hbm.at[src_idx.at[0]], rows.at[0], sem0)
        lax.fori_loop(0, (STG - 2) // 2, _body, 0)
        _step(STG - 2, 0)
        pltpu.make_async_copy(
            hs_hbm.at[src_idx.at[STG - 1]], rows.at[1], sem1
        ).wait()
        pltpu.sync_copy(rows.at[1], acc_sh.at[dst_idx.at[STG - 1]], add=True)
        return 0

    lax.fori_loop(0, npasses, _pass, 0)
    plsc.subcore_barrier()
    pltpu.sync_copy(
        acc_sh.at[pl.ds(s * RPT, RPT)], out_hbm.at[c, pl.ds(s * RPT, RPT)]
    )


def _fin_body(accp_ref, hs_ref, degp_ref, b_ref, out_ref):
    deg = degp_ref[0] + degp_ref[1] + 1.0
    dinv = jnp.where(deg > 0, lax.rsqrt(deg), 0.0)
    acc = accp_ref[0] + accp_ref[1] + hs_ref[...]
    out_ref[...] = dinv * acc + b_ref[...]


def _fin(accp, hs, degp, b2):
    R = 2000
    grid = N // R
    return pl.pallas_call(
        _fin_body,
        grid=(grid,),
        in_specs=[
            pl.BlockSpec((NC, R, D), lambda i: (0, i, 0)),
            pl.BlockSpec((R, D), lambda i: (i, 0)),
            pl.BlockSpec((NC, R, 1), lambda i: (0, i, 0)),
            pl.BlockSpec((1, D), lambda i: (0, 0)),
        ],
        out_specs=pl.BlockSpec((R, D), lambda i: (i, 0)),
        out_shape=jax.ShapeDtypeStruct((N, D), jnp.float32),
    )(accp, hs, degp, b2)


def kernel(X, edges, W, b):
    e = edges.astype(jnp.int32)
    pad = jnp.full((2, EP - E), N, dtype=jnp.int32)
    ep = jnp.concatenate([e, pad], axis=1).reshape(2, TOTCH, C)
    srcr = ep[0]
    dstr = ep[1]
    Xp = jnp.pad(X, ((0, NPAD - N), (0, 0)))

    degp = _deg_kernel(dstr).reshape(NC, NPAD, 1)
    hs = _mm(Xp, W, degp)
    accp = _agg_kernel(hs, srcr, dstr)
    return _fin(accp, hs, degp, b.reshape(1, D))

# --- scband reference (transcript-rebuilt; emitter-appended) ---
"""Pipeline reference for scband-gcnmodel-30554397343903 (READ-ONLY COPY).

The authoritative reference and input builder live on the scoring server;
editing this copy changes nothing except your own understanding.
"""

import jax, jax.numpy as jnp
import numpy as np

NUM_NODES = 10000
NUM_EDGES = 320000
D_IN = 128
D_OUT = 128


def setup_inputs(seed: int = 0) -> dict:
    key = jax.random.key(seed)
    k1, k2, k3, k4 = jax.random.split(key, 4)
    X = jax.random.normal(k1, (NUM_NODES, D_IN), dtype=jnp.float32)
    edges = jax.random.randint(k2, (2, NUM_EDGES), 0, NUM_NODES, dtype=jnp.int64)
    # GCNConv parameters (glorot-style init, like torch_geometric GCNConv lin weight + bias)
    W = jax.random.normal(k3, (D_IN, D_OUT), dtype=jnp.float32) * (1.0 / np.sqrt(D_IN))
    b = jnp.zeros((D_OUT,), dtype=jnp.float32)
    return {"X": X, "edges": edges, "W": W, "b": b}


def _gcn_conv(x, src, dst, W, b, num_nodes):
    # x' = D^{-1/2} (A + I) D^{-1/2} (x W) + b   (standard GCNConv semantics)
    h = x @ W
    loop = jnp.arange(num_nodes, dtype=src.dtype)
    src_sl = jnp.concatenate([src, loop])
    dst_sl = jnp.concatenate([dst, loop])
    deg = jnp.zeros((num_nodes,), dtype=h.dtype).at[dst_sl].add(1.0)
    dinv = jnp.where(deg > 0, jax.lax.rsqrt(deg), 0.0)
    norm = dinv[src_sl] * dinv[dst_sl]
    msg = h[src_sl] * norm[:, None]
    out = jnp.zeros((num_nodes, h.shape[1]), dtype=h.dtype).at[dst_sl].add(msg)
    return out + b


def reference(X, edges, W, b):
    # GCNModel.encode: single GCNConv layer (gcn_embed_dims=[128,128] -> 1 layer, no ReLU after last)
    src = edges[0]
    dst = edges[1]
    return _gcn_conv(X, src, dst, W, b, NUM_NODES)

if __name__ == "__main__":
    import jax
    _d = setup_inputs()
    print(jax.jit(kernel)(*tuple(_d.values())))

</pallas_src>

<mosaic_0001>
#map = affine_map<(d0, d1) -> (0, 0)>
module attributes {stable_mosaic.version = 14 : i64} {
  func.func @_deg_kernel(%arg0: i32, %arg1: i32, %arg2: memref<5120x64xi32, #tpu.memory_space<hbm>>, %arg3: memref<2x10240xf32, #tpu.memory_space<hbm>>, %arg4: memref<160x64xi32, #tpu.memory_space<vmem>>, %arg5: memref<64xf32, #tpu.memory_space<vmem>>, %arg6: memref<640xf32, #tpu.memory_space<vmem>>, %arg7: memref<10240xf32, #tpu.memory_space<vmem_shared>>) attributes {dimension_semantics = [#tpu.dimension_semantics<core_parallel>, #tpu.dimension_semantics<subcore_parallel>], iteration_bounds = array<i64: 2, 16>, scalar_prefetch = 0 : i64, scratch_operands = 4 : i64, tpu.core_type = #tpu.core_type<sc_vector_subcore>, window_params = [{transform_indices = #map}, {transform_indices = #map}]} {
    %broadcast_in_dim3A = arith.constant 1.000000e+00 : f32
    %broadcast_in_dim3A_0 = vector.broadcast %broadcast_in_dim3A : f32 to vector<16xf32>
    %swap3A = arith.constant 0 : index
    %swap3A_1 = tpu.vector_load %arg5[%swap3A] {strides = array<i32>} : memref<64xf32, #tpu.memory_space<vmem>>, vector<16xf32>,
    %swap3A_2 = vector.shape_cast %swap3A_1 : vector<16xf32> to vector<16xf32>
    %swap3A_3 = vector.shape_cast %broadcast_in_dim3A_0 : vector<16xf32> to vector<16xf32>
    tpu.vector_store %arg5[%swap3A], %swap3A_3 {strides = array<i32>} : memref<64xf32, #tpu.memory_space<vmem>>, vector<16xf32>,
    %broadcast_in_dim3A_4 = arith.constant 1.000000e+00 : f32
    %broadcast_in_dim3A_5 = vector.broadcast %broadcast_in_dim3A_4 : f32 to vector<16xf32>
    %swap3A_6 = arith.constant 16 : index
    %swap3A_7 = tpu.vector_load %arg5[%swap3A_6] {strides = array<i32>} : memref<64xf32, #tpu.memory_space<vmem>>, vector<16xf32>,
    %swap3A_8 = vector.shape_cast %swap3A_7 : vector<16xf32> to vector<16xf32>
    %swap3A_9 = vector.shape_cast %broadcast_in_dim3A_5 : vector<16xf32> to vector<16xf32>
    tpu.vector_store %arg5[%swap3A_6], %swap3A_9 {strides = array<i32>} : memref<64xf32, #tpu.memory_space<vmem>>, vector<16xf32>,
    %broadcast_in_dim3A_10 = arith.constant 1.000000e+00 : f32
    %broadcast_in_dim3A_11 = vector.broadcast %broadcast_in_dim3A_10 : f32 to vector<16xf32>
    %swap3A_12 = arith.constant 32 : index
    %swap3A_13 = tpu.vector_load %arg5[%swap3A_12] {strides = array<i32>} : memref<64xf32, #tpu.memory_space<vmem>>, vector<16xf32>,
    %swap3A_14 = vector.shape_cast %swap3A_13 : vector<16xf32> to vector<16xf32>
    %swap3A_15 = vector.shape_cast %broadcast_in_dim3A_11 : vector<16xf32> to vector<16xf32>
    tpu.vector_store %arg5[%swap3A_12], %swap3A_15 {strides = array<i32>} : memref<64xf32, #tpu.memory_space<vmem>>, vector<16xf32>,
    %broadcast_in_dim3A_16 = arith.constant 1.000000e+00 : f32
    %broadcast_in_dim3A_17 = vector.broadcast %broadcast_in_dim3A_16 : f32 to vector<16xf32>
    %swap3A_18 = arith.constant 48 : index
    %swap3A_19 = tpu.vector_load %arg5[%swap3A_18] {strides = array<i32>} : memref<64xf32, #tpu.memory_space<vmem>>, vector<16xf32>,
    %swap3A_20 = vector.shape_cast %swap3A_19 : vector<16xf32> to vector<16xf32>
    %swap3A_21 = vector.shape_cast %broadcast_in_dim3A_17 : vector<16xf32> to vector<16xf32>
    tpu.vector_store %arg5[%swap3A_18], %swap3A_21 {strides = array<i32>} : memref<64xf32, #tpu.memory_space<vmem>>, vector<16xf32>,
    %scan3A = arith.constant 0 : i32
    %scan3A_22 = arith.constant 0 : i32
    %scan3A_23 = arith.constant 40 : i32
    %scan3A_24 = arith.addi %scan3A_22, %scan3A_23 : i32
    %scan3A_25 = arith.constant 1 : i32
    %scan3A_26 = scf.for %scan3A_45 = %scan3A_22 to %scan3A_24 step %scan3A_25 iter_args(%scan3A_46 = %scan3A) -> (i32)  : i32 {
      %broadcast_in_dim3A_47 = arith.constant 0.000000e+00 : f32
      %broadcast_in_dim3A_48 = vector.broadcast %broadcast_in_dim3A_47 : f32 to vector<16xf32>
      %mul3A_49 = arith.constant 16 : i32
      %mul3A_50 = arith.muli %scan3A_45, %mul3A_49 : i32
      %swap3A_51 = arith.index_cast %mul3A_50 : i32 to index
      %swap3A_52 = tpu.vector_load %arg6[%swap3A_51] {strides = array<i32>} : memref<640xf32, #tpu.memory_space<vmem>>, vector<16xf32>,
      %swap3A_53 = vector.shape_cast %swap3A_52 : vector<16xf32> to vector<16xf32>
      %swap3A_54 = vector.shape_cast %broadcast_in_dim3A_48 : vector<16xf32> to vector<16xf32>
      tpu.vector_store %arg6[%swap3A_51], %swap3A_54 {strides = array<i32>} : memref<640xf32, #tpu.memory_space<vmem>>, vector<16xf32>,
      %scan3A_55 = arith.constant 0 : i32
      scf.yield %scan3A_55 : i32
    }
    %scan3A_27 = arith.constant 40 : i32
    %mul3A = arith.constant 640 : i32
    %mul3A_28 = arith.muli %arg1, %mul3A : i32
    "tpu.region"() ({
      %run_scoped3A = tpu.sem_alloc : memref<!tpu.dma_semaphore, #tpu.memory_space<semaphore_mem>>
      %dma_start3A = tpu.memref_slice %arg7[%mul3A_28] : memref<10240xf32, #tpu.memory_space<vmem_shared>> -> memref<640xf32, #tpu.memory_space<vmem_shared>>
      %dma_start3A_45 = tpu.memref_slice %arg7[%mul3A_28] : memref<10240xf32, #tpu.memory_space<vmem_shared>> -> memref<640xf32, #tpu.memory_space<vmem_shared>>
      tpu.enqueue_dma source(%arg6 : memref<640xf32, #tpu.memory_space<vmem>>) target(%dma_start3A_45 : memref<640xf32, #tpu.memory_space<vmem_shared>>) target_semaphore(%run_scoped3A : memref<!tpu.dma_semaphore, #tpu.memory_space<semaphore_mem>>)
      %dma_wait3A = tpu.memref_slice %arg7[%mul3A_28] : memref<10240xf32, #tpu.memory_space<vmem_shared>> -> memref<640xf32, #tpu.memory_space<vmem_shared>>
      %dma_wait3A_46 = tpu.memref_slice %arg7[%mul3A_28] : memref<10240xf32, #tpu.memory_space<vmem_shared>> -> memref<640xf32, #tpu.memory_space<vmem_shared>>
      tpu.wait_dma2 semaphore(%run_scoped3A : memref<!tpu.dma_semaphore, #tpu.memory_space<semaphore_mem>>) src(%arg6 : memref<640xf32, #tpu.memory_space<vmem>>) dst(%dma_wait3A_46 : memref<640xf32, #tpu.memory_space<vmem_shared>>)
      tpu.yield
    }) : () -> ()
    %barrier3A = arith.constant 0 : index
    tpu.barrier barrier_id(%barrier3A)
    %mul3A_29 = arith.constant 16 : i32
    %mul3A_30 = arith.muli %arg0, %mul3A_29 : i32
    %add3A = arith.addi %mul3A_30, %arg1 : i32
    %mul3A_31 = arith.constant 160 : i32
    %mul3A_32 = arith.muli %add3A, %mul3A_31 : i32
    "tpu.region"() ({
      %run_scoped3A = tpu.sem_alloc : memref<!tpu.dma_semaphore, #tpu.memory_space<semaphore_mem>>
      %dma_start3A = arith.constant 0 : i32
      %dma_start3A_45 = tpu.memref_slice %arg2[%mul3A_32, %dma_start3A] : memref<5120x64xi32, #tpu.memory_space<hbm>> -> memref<160x64xi32, #tpu.memory_space<hbm>>
      %dma_start3A_46 = arith.constant 0 : i32
      %dma_start3A_47 = tpu.memref_slice %arg2[%mul3A_32, %dma_start3A_46] : memref<5120x64xi32, #tpu.memory_space<hbm>> -> memref<160x64xi32, #tpu.memory_space<hbm>>
      tpu.enqueue_dma source(%dma_start3A_47 : memref<160x64xi32, #tpu.memory_space<hbm>>) target(%arg4 : memref<160x64xi32, #tpu.memory_space<vmem>>) target_semaphore(%run_scoped3A : memref<!tpu.dma_semaphore, #tpu.memory_space<semaphore_mem>>)
      %dma_wait3A = arith.constant 0 : i32
      %dma_wait3A_48 = tpu.memref_slice %arg2[%mul3A_32, %dma_wait3A] : memref<5120x64xi32, #tpu.memory_space<hbm>> -> memref<160x64xi32, #tpu.memory_space<hbm>>
      %dma_wait3A_49 = arith.constant 0 : i32
      %dma_wait3A_50 = tpu.memref_slice %arg2[%mul3A_32, %dma_wait3A_49] : memref<5120x64xi32, #tpu.memory_space<hbm>> -> memref<160x64xi32, #tpu.memory_space<hbm>>
      tpu.wait_dma2 semaphore(%run_scoped3A : memref<!tpu.dma_semaphore, #tpu.memory_space<semaphore_mem>>) src(%dma_wait3A_50 : memref<160x64xi32, #tpu.memory_space<hbm>>) dst(%arg4 : memref<160x64xi32, #tpu.memory_space<vmem>>)
      tpu.yield
    }) : () -> ()
    %scan3A_33 = arith.constant 0 : i32
    %scan3A_34 = arith.constant 0 : i32
    %scan3A_35 = arith.constant 160 : i32
    %scan3A_36 = arith.addi %scan3A_34, %scan3A_35 : i32
    %scan3A_37 = arith.constant 1 : i32
    %scan3A_38 = scf.for %scan3A_45 = %scan3A_34 to %scan3A_36 step %scan3A_37 iter_args(%scan3A_46 = %scan3A_33) -> (i32)  : i32 {
      "tpu.region"() ({
        %run_scoped3A = tpu.sem_alloc : memref<!tpu.dma_semaphore, #tpu.memory_space<semaphore_mem>>
        %dma_start3A = arith.constant 0 : i32
        %dma_start3A_48 = tpu.memref_slice %arg4[%scan3A_45, %dma_start3A] : memref<160x64xi32, #tpu.memory_space<vmem>> -> memref<1x64xi32, #tpu.memory_space<vmem>>
        %dma_start3A_49 = tpu.memref_squeeze %dma_start3A_48 : memref<1x64xi32, #tpu.memory_space<vmem>> -> memref<64xi32, #tpu.memory_space<vmem>>
        %dma_start3A_50 = arith.constant 0 : i32
        %dma_start3A_51 = tpu.memref_slice %arg7[%dma_start3A_50] : memref<10240xf32, #tpu.memory_space<vmem_shared>> -> memref<10240xf32, #tpu.memory_space<vmem_shared>>
        tpu.enqueue_indirect_dma source(%arg5 : memref<64xf32, #tpu.memory_space<vmem>>) target(%dma_start3A_51 : memref<10240xf32, #tpu.memory_space<vmem_shared>>) offsets(%dma_start3A_49 : memref<64xi32, #tpu.memory_space<vmem>>) semaphore(%run_scoped3A : memref<!tpu.dma_semaphore, #tpu.memory_space<semaphore_mem>>) {add = true}
        %dma_wait3A = arith.constant 0 : i32
        %dma_wait3A_52 = tpu.memref_slice %arg4[%scan3A_45, %dma_wait3A] : memref<160x64xi32, #tpu.memory_space<vmem>> -> memref<1x64xi32, #tpu.memory_space<vmem>>
        %dma_wait3A_53 = tpu.memref_squeeze %dma_wait3A_52 : memref<1x64xi32, #tpu.memory_space<vmem>> -> memref<64xi32, #tpu.memory_space<vmem>>
        %dma_wait3A_54 = arith.constant 0 : i32
        %dma_wait3A_55 = tpu.memref_slice %arg7[%dma_wait3A_54] : memref<10240xf32, #tpu.memory_space<vmem_shared>> -> memref<10240xf32, #tpu.memory_space<vmem_shared>>
        tpu.wait_indirect_dma semaphore(%run_scoped3A : memref<!tpu.dma_semaphore, #tpu.memory_space<semaphore_mem>>) src(%arg5 : memref<64xf32, #tpu.memory_space<vmem>>) dst(%dma_wait3A_55 : memref<10240xf32, #tpu.memory_space<vmem_shared>>)
        tpu.yield
      }) : () -> ()
      %scan3A_47 = arith.constant 0 : i32
      scf.yield %scan3A_47 : i32
    }
    %scan3A_39 = arith.constant 160 : i32
    %barrier3A_40 = arith.constant 0 : index
    tpu.barrier barrier_id(%barrier3A_40)
    %mul3A_41 = arith.constant 640 : i32
    %mul3A_42 = arith.muli %arg1, %mul3A_41 : i32
    %mul3A_43 = arith.constant 640 : i32
    %mul3A_44 = arith.muli %arg1, %mul3A_43 : i32
    "tpu.region"() ({
      %run_scoped3A = tpu.sem_alloc : memref<!tpu.dma_semaphore, #tpu.memory_space<semaphore_mem>>
      %dma_start3A = tpu.memref_slice %arg3[%arg0, %mul3A_44] : memref<2x10240xf32, #tpu.memory_space<hbm>> -> memref<1x640xf32, #tpu.memory_space<hbm>>
      %dma_start3A_45 = tpu.memref_squeeze %dma_start3A : memref<1x640xf32, #tpu.memory_space<hbm>> -> memref<640xf32, #tpu.memory_space<hbm>>
      %dma_start3A_46 = tpu.memref_slice %arg7[%mul3A_42] : memref<10240xf32, #tpu.memory_space<vmem_shared>> -> memref<640xf32, #tpu.memory_space<vmem_shared>>
      tpu.enqueue_dma source(%dma_start3A_46 : memref<640xf32, #tpu.memory_space<vmem_shared>>) target(%dma_start3A_45 : memref<640xf32, #tpu.memory_space<hbm>>) target_semaphore(%run_scoped3A : memref<!tpu.dma_semaphore, #tpu.memory_space<semaphore_mem>>)
      %dma_wait3A = tpu.memref_slice %arg3[%arg0, %mul3A_44] : memref<2x10240xf32, #tpu.memory_space<hbm>> -> memref<1x640xf32, #tpu.memory_space<hbm>>
      %dma_wait3A_47 = tpu.memref_squeeze %dma_wait3A : memref<1x640xf32, #tpu.memory_space<hbm>> -> memref<640xf32, #tpu.memory_space<hbm>>
      %dma_wait3A_48 = tpu.memref_slice %arg7[%mul3A_42] : memref<10240xf32, #tpu.memory_space<vmem_shared>> -> memref<640xf32, #tpu.memory_space<vmem_shared>>
      tpu.wait_dma2 semaphore(%run_scoped3A : memref<!tpu.dma_semaphore, #tpu.memory_space<semaphore_mem>>) src(%dma_wait3A_48 : memref<640xf32, #tpu.memory_space<vmem_shared>>) dst(%dma_wait3A_47 : memref<640xf32, #tpu.memory_space<hbm>>)
      tpu.yield
    }) : () -> ()
    return
  }
}

#map = affine_map<(d0, d1) -> (0, 0)>
#map1 = affine_map<(d0, d1) -> (0, 0, 0)>
module attributes {stable_mosaic.version = 14 : i64} {
  func.func @_agg_kernel(%arg0: i32, %arg1: i32, %arg2: memref<10240x128xf32, #tpu.memory_space<hbm>>, %arg3: memref<5120x64xi32, #tpu.memory_space<hbm>>, %arg4: memref<5120x64xi32, #tpu.memory_space<hbm>>, %arg5: memref<2x10240x128xf32, #tpu.memory_space<hbm>>, %arg6: memref<32x64xi32, #tpu.memory_space<vmem>>, %arg7: memref<32x64xi32, #tpu.memory_space<vmem>>, %arg8: memref<2x64x128xf32, #tpu.memory_space<vmem>>, %arg9: memref<10240x128xf32, #tpu.memory_space<vmem_shared>>, %arg10: memref<!tpu.dma_semaphore, #tpu.memory_space<semaphore_mem>>, %arg11: memref<!tpu.dma_semaphore, #tpu.memory_space<semaphore_mem>>) attributes {dimension_semantics = [#tpu.dimension_semantics<core_parallel>, #tpu.dimension_semantics<subcore_parallel>], iteration_bounds = array<i64: 2, 16>, scalar_prefetch = 0 : i64, scratch_operands = 6 : i64, tpu.core_type = #tpu.core_type<sc_vector_subcore>, window_params = [{transform_indices = #map}, {transform_indices = #map}, {transform_indices = #map}, {transform_indices = #map1}]} {
    %scan3A = arith.constant 0 : i32
    %scan3A_0 = arith.constant 0 : i32
    %scan3A_1 = arith.constant 64 : i32
    %scan3A_2 = arith.addi %scan3A_0, %scan3A_1 : i32
    %scan3A_3 = arith.constant 1 : i32
    %scan3A_4 = scf.for %scan3A_80 = %scan3A_0 to %scan3A_2 step %scan3A_3 iter_args(%scan3A_81 = %scan3A) -> (i32)  : i32 {
      %broadcast_in_dim3A = arith.constant 0.000000e+00 : f32
      %broadcast_in_dim3A_82 = vector.broadcast %broadcast_in_dim3A : f32 to vector<16xf32>
      %swap3A = arith.constant 0 : i32
      %swap3A_83 = arith.index_cast %swap3A : i32 to index
      %swap3A_84 = arith.index_cast %scan3A_80 : i32 to index
      %swap3A_85 = arith.constant 0 : index
      %swap3A_86 = tpu.vector_load %arg8[%swap3A_83, %swap3A_84, %swap3A_85] {strides = array<i32>} : memref<2x64x128xf32, #tpu.memory_space<vmem>>, vector<1x1x16xf32>,
      %swap3A_87 = vector.shape_cast %swap3A_86 : vector<1x1x16xf32> to vector<16xf32>
      %swap3A_88 = vector.shape_cast %broadcast_in_dim3A_82 : vector<16xf32> to vector<1x1x16xf32>
      tpu.vector_store %arg8[%swap3A_83, %swap3A_84, %swap3A_85], %swap3A_88 {strides = array<i32>} : memref<2x64x128xf32, #tpu.memory_space<vmem>>, vector<1x1x16xf32>,
      %broadcast_in_dim3A_89 = arith.constant 0.000000e+00 : f32
      %broadcast_in_dim3A_90 = vector.broadcast %broadcast_in_dim3A_89 : f32 to vector<16xf32>
      %swap3A_91 = arith.constant 0 : i32
      %swap3A_92 = arith.index_cast %swap3A_91 : i32 to index
      %swap3A_93 = arith.index_cast %scan3A_80 : i32 to index
      %swap3A_94 = arith.constant 16 : index
      %swap3A_95 = tpu.vector_load %arg8[%swap3A_92, %swap3A_93, %swap3A_94] {strides = array<i32>} : memref<2x64x128xf32, #tpu.memory_space<vmem>>, vector<1x1x16xf32>,
      %swap3A_96 = vector.shape_cast %swap3A_95 : vector<1x1x16xf32> to vector<16xf32>
      %swap3A_97 = vector.shape_cast %broadcast_in_dim3A_90 : vector<16xf32> to vector<1x1x16xf32>
      tpu.vector_store %arg8[%swap3A_92, %swap3A_93, %swap3A_94], %swap3A_97 {strides = array<i32>} : memref<2x64x128xf32, #tpu.memory_space<vmem>>, vector<1x1x16xf32>,
      %broadcast_in_dim3A_98 = arith.constant 0.000000e+00 : f32
      %broadcast_in_dim3A_99 = vector.broadcast %broadcast_in_dim3A_98 : f32 to vector<16xf32>
      %swap3A_100 = arith.constant 0 : i32
      %swap3A_101 = arith.index_cast %swap3A_100 : i32 to index
      %swap3A_102 = arith.index_cast %scan3A_80 : i32 to index
      %swap3A_103 = arith.constant 32 : index
      %swap3A_104 = tpu.vector_load %arg8[%swap3A_101, %swap3A_102, %swap3A_103] {strides = array<i32>} : memref<2x64x128xf32, #tpu.memory_space<vmem>>, vector<1x1x16xf32>,
      %swap3A_105 = vector.shape_cast %swap3A_104 : vector<1x1x16xf32> to vector<16xf32>
      %swap3A_106 = vector.shape_cast %broadcast_in_dim3A_99 : vector<16xf32> to vector<1x1x16xf32>
      tpu.vector_store %arg8[%swap3A_101, %swap3A_102, %swap3A_103], %swap3A_106 {strides = array<i32>} : memref<2x64x128xf32, #tpu.memory_space<vmem>>, vector<1x1x16xf32>,
      %broadcast_in_dim3A_107 = arith.constant 0.000000e+00 : f32
      %broadcast_in_dim3A_108 = vector.broadcast %broadcast_in_dim3A_107 : f32 to vector<16xf32>
      %swap3A_109 = arith.constant 0 : i32
      %swap3A_110 = arith.index_cast %swap3A_109 : i32 to index
      %swap3A_111 = arith.index_cast %scan3A_80 : i32 to index
      %swap3A_112 = arith.constant 48 : index
      %swap3A_113 = tpu.vector_load %arg8[%swap3A_110, %swap3A_111, %swap3A_112] {strides = array<i32>} : memref<2x64x128xf32, #tpu.memory_space<vmem>>, vector<1x1x16xf32>,
      %swap3A_114 = vector.shape_cast %swap3A_113 : vector<1x1x16xf32> to vector<16xf32>
      %swap3A_115 = vector.shape_cast %broadcast_in_dim3A_108 : vector<16xf32> to vector<1x1x16xf32>
      tpu.vector_store %arg8[%swap3A_110, %swap3A_111, %swap3A_112], %swap3A_115 {strides = array<i32>} : memref<2x64x128xf32, #tpu.memory_space<vmem>>, vector<1x1x16xf32>,
      %broadcast_in_dim3A_116 = arith.constant 0.000000e+00 : f32
      %broadcast_in_dim3A_117 = vector.broadcast %broadcast_in_dim3A_116 : f32 to vector<16xf32>
      %swap3A_118 = arith.constant 0 : i32
      %swap3A_119 = arith.index_cast %swap3A_118 : i32 to index
      %swap3A_120 = arith.index_cast %scan3A_80 : i32 to index
      %swap3A_121 = arith.constant 64 : index
      %swap3A_122 = tpu.vector_load %arg8[%swap3A_119, %swap3A_120, %swap3A_121] {strides = array<i32>} : memref<2x64x128xf32, #tpu.memory_space<vmem>>, vector<1x1x16xf32>,
      %swap3A_123 = vector.shape_cast %swap3A_122 : vector<1x1x16xf32> to vector<16xf32>
      %swap3A_124 = vector.shape_cast %broadcast_in_dim3A_117 : vector<16xf32> to vector<1x1x16xf32>
      tpu.vector_store %arg8[%swap3A_119, %swap3A_120, %swap3A_121], %swap3A_124 {strides = array<i32>} : memref<2x64x128xf32, #tpu.memory_space<vmem>>, vector<1x1x16xf32>,
      %broadcast_in_dim3A_125 = arith.constant 0.000000e+00 : f32
      %broadcast_in_dim3A_126 = vector.broadcast %broadcast_in_dim3A_125 : f32 to vector<16xf32>
      %swap3A_127 = arith.constant 0 : i32
      %swap3A_128 = arith.index_cast %swap3A_127 : i32 to index
      %swap3A_129 = arith.index_cast %scan3A_80 : i32 to index
      %swap3A_130 = arith.constant 80 : index
      %swap3A_131 = tpu.vector_load %arg8[%swap3A_128, %swap3A_129, %swap3A_130] {strides = array<i32>} : memref<2x64x128xf32, #tpu.memory_space<vmem>>, vector<1x1x16xf32>,
      %swap3A_132 = vector.shape_cast %swap3A_131 : vector<1x1x16xf32> to vector<16xf32>
      %swap3A_133 = vector.shape_cast %broadcast_in_dim3A_126 : vector<16xf32> to vector<1x1x16xf32>
      tpu.vector_store %arg8[%swap3A_128, %swap3A_129, %swap3A_130], %swap3A_133 {strides = array<i32>} : memref<2x64x128xf32, #tpu.memory_space<vmem>>, vector<1x1x16xf32>,
      %broadcast_in_dim3A_134 = arith.constant 0.000000e+00 : f32
      %broadcast_in_dim3A_135 = vector.broadcast %broadcast_in_dim3A_134 : f32 to vector<16xf32>
      %swap3A_136 = arith.constant 0 : i32
      %swap3A_137 = arith.index_cast %swap3A_136 : i32 to index
      %swap3A_138 = arith.index_cast %scan3A_80 : i32 to index
      %swap3A_139 = arith.constant 96 : index
      %swap3A_140 = tpu.vector_load %arg8[%swap3A_137, %swap3A_138, %swap3A_139] {strides = array<i32>} : memref<2x64x128xf32, #tpu.memory_space<vmem>>, vector<1x1x16xf32>,
      %swap3A_141 = vector.shape_cast %swap3A_140 : vector<1x1x16xf32> to vector<16xf32>
      %swap3A_142 = vector.shape_cast %broadcast_in_dim3A_135 : vector<16xf32> to vector<1x1x16xf32>
      tpu.vector_store %arg8[%swap3A_137, %swap3A_138, %swap3A_139], %swap3A_142 {strides = array<i32>} : memref<2x64x128xf32, #tpu.memory_space<vmem>>, vector<1x1x16xf32>,
      %broadcast_in_dim3A_143 = arith.constant 0.000000e+00 : f32
      %broadcast_in_dim3A_144 = vector.broadcast %broadcast_in_dim3A_143 : f32 to vector<16xf32>
      %swap3A_145 = arith.constant 0 : i32
      %swap3A_146 = arith.index_cast %swap3A_145 : i32 to index
      %swap3A_147 = arith.index_cast %scan3A_80 : i32 to index
      %swap3A_148 = arith.constant 112 : index
      %swap3A_149 = tpu.vector_load %arg8[%swap3A_146, %swap3A_147, %swap3A_148] {strides = array<i32>} : memref<2x64x128xf32, #tpu.memory_space<vmem>>, vector<1x1x16xf32>,
      %swap3A_150 = vector.shape_cast %swap3A_149 : vector<1x1x16xf32> to vector<16xf32>
      %swap3A_151 = vector.shape_cast %broadcast_in_dim3A_144 : vector<16xf32> to vector<1x1x16xf32>
      tpu.vector_store %arg8[%swap3A_146, %swap3A_147, %swap3A_148], %swap3A_151 {strides = array<i32>} : memref<2x64x128xf32, #tpu.memory_space<vmem>>, vector<1x1x16xf32>,
      %scan3A_152 = arith.constant 0 : i32
      scf.yield %scan3A_152 : i32
    }
    %scan3A_5 = arith.constant 64 : i32
    %mul3A = arith.constant 640 : i32
    %mul3A_6 = arith.muli %arg1, %mul3A : i32
    %add3A = arith.constant 0 : i32
    %add3A_7 = arith.addi %mul3A_6, %add3A : i32
    %run_scoped3A = arith.constant 0 : i32
    "tpu.region"() ({
      %run_scoped3A_80 = tpu.sem_alloc : memref<!tpu.dma_semaphore, #tpu.memory_space<semaphore_mem>>
      %dma_start3A = arith.constant 0 : i32
      %dma_start3A_81 = arith.constant 0 : i32
      %dma_start3A_82 = tpu.memref_slice %arg8[%run_scoped3A, %dma_start3A, %dma_start3A_81] : memref<2x64x128xf32, #tpu.memory_space<vmem>> -> memref<1x64x128xf32, #tpu.memory_space<vmem>>
      %dma_start3A_83 = tpu.memref_squeeze %dma_start3A_82 : memref<1x64x128xf32, #tpu.memory_space<vmem>> -> memref<64x128xf32, #tpu.memory_space<vmem>>
      %dma_start3A_84 = arith.constant 0 : i32
      %dma_start3A_85 = tpu.memref_slice %arg9[%add3A_7, %dma_start3A_84] : memref<10240x128xf32, #tpu.memory_space<vmem_shared>> -> memref<64x128xf32, #tpu.memory_space<vmem_shared>>
      %dma_start3A_86 = arith.constant 0 : i32
      %dma_start3A_87 = tpu.memref_slice %arg9[%add3A_7, %dma_start3A_86] : memref<10240x128xf32, #tpu.memory_space<vmem_shared>> -> memref<64x128xf32, #tpu.memory_space<vmem_shared>>
      %dma_start3A_88 = arith.constant 0 : i32
      %dma_start3A_89 = arith.constant 0 : i32
      %dma_start3A_90 = tpu.memref_slice %arg8[%run_scoped3A, %dma_start3A_88, %dma_start3A_89] : memref<2x64x128xf32, #tpu.memory_space<vmem>> -> memref<1x64x128xf32, #tpu.memory_space<vmem>>
      %dma_start3A_91 = tpu.memref_squeeze %dma_start3A_90 : memref<1x64x128xf32, #tpu.memory_space<vmem>> -> memref<64x128xf32, #tpu.memory_space<vmem>>
      tpu.enqueue_dma source(%dma_start3A_91 : memref<64x128xf32, #tpu.memory_space<vmem>>) target(%dma_start3A_87 : memref<64x128xf32, #tpu.memory_space<vmem_shared>>) target_semaphore(%run_scoped3A_80 : memref<!tpu.dma_semaphore, #tpu.memory_space<semaphore_mem>>)
      %dma_wait3A = arith.constant 0 : i32
      %dma_wait3A_92 = arith.constant 0 : i32
      %dma_wait3A_93 = tpu.memref_slice %arg8[%run_scoped3A, %dma_wait3A, %dma_wait3A_92] : memref<2x64x128xf32, #tpu.memory_space<vmem>> -> memref<1x64x128xf32, #tpu.memory_space<vmem>>
      %dma_wait3A_94 = tpu.memref_squeeze %dma_wait3A_93 : memref<1x64x128xf32, #tpu.memory_space<vmem>> -> memref<64x128xf32, #tpu.memory_space<vmem>>
      %dma_wait3A_95 = arith.constant 0 : i32
      %dma_wait3A_96 = tpu.memref_slice %arg9[%add3A_7, %dma_wait3A_95] : memref<10240x128xf32, #tpu.memory_space<vmem_shared>> -> memref<64x128xf32, #tpu.memory_space<vmem_shared>>
      %dma_wait3A_97 = arith.constant 0 : i32
      %dma_wait3A_98 = tpu.memref_slice %arg9[%add3A_7, %dma_wait3A_97] : memref<10240x128xf32, #tpu.memory_space<vmem_shared>> -> memref<64x128xf32, #tpu.memory_space<vmem_shared>>
      %dma_wait3A_99 = arith.constant 0 : i32
      %dma_wait3A_100 = arith.constant 0 : i32
      %dma_wait3A_101 = tpu.memref_slice %arg8[%run_scoped3A, %dma_wait3A_99, %dma_wait3A_100] : memref<2x64x128xf32, #tpu.memory_space<vmem>> -> memref<1x64x128xf32, #tpu.memory_space<vmem>>
      %dma_wait3A_102 = tpu.memref_squeeze %dma_wait3A_101 : memref<1x64x128xf32, #tpu.memory_space<vmem>> -> memref<64x128xf32, #tpu.memory_space<vmem>>
      tpu.wait_dma2 semaphore(%run_scoped3A_80 : memref<!tpu.dma_semaphore, #tpu.memory_space<semaphore_mem>>) src(%dma_wait3A_102 : memref<64x128xf32, #tpu.memory_space<vmem>>) dst(%dma_wait3A_98 : memref<64x128xf32, #tpu.memory_space<vmem_shared>>)
      tpu.yield
    }) : () -> ()
    %mul3A_8 = arith.constant 640 : i32
    %mul3A_9 = arith.muli %arg1, %mul3A_8 : i32
    %add3A_10 = arith.constant 64 : i32
    %add3A_11 = arith.addi %mul3A_9, %add3A_10 : i32
    %run_scoped3A_12 = arith.constant 0 : i32
    "tpu.region"() ({
      %run_scoped3A_80 = tpu.sem_alloc : memref<!tpu.dma_semaphore, #tpu.memory_space<semaphore_mem>>
      %dma_start3A = arith.constant 0 : i32
      %dma_start3A_81 = arith.constant 0 : i32
      %dma_start3A_82 = tpu.memref_slice %arg8[%run_scoped3A_12, %dma_start3A, %dma_start3A_81] : memref<2x64x128xf32, #tpu.memory_space<vmem>> -> memref<1x64x128xf32, #tpu.memory_space<vmem>>
      %dma_start3A_83 = tpu.memref_squeeze %dma_start3A_82 : memref<1x64x128xf32, #tpu.memory_space<vmem>> -> memref<64x128xf32, #tpu.memory_space<vmem>>
      %dma_start3A_84 = arith.constant 0 : i32
      %dma_start3A_85 = tpu.memref_slice %arg9[%add3A_11, %dma_start3A_84] : memref<10240x128xf32, #tpu.memory_space<vmem_shared>> -> memref<64x128xf32, #tpu.memory_space<vmem_shared>>
      %dma_start3A_86 = arith.constant 0 : i32
      %dma_start3A_87 = tpu.memref_slice %arg9[%add3A_11, %dma_start3A_86] : memref<10240x128xf32, #tpu.memory_space<vmem_shared>> -> memref<64x128xf32, #tpu.memory_space<vmem_shared>>
      %dma_start3A_88 = arith.constant 0 : i32
      %dma_start3A_89 = arith.constant 0 : i32
      %dma_start3A_90 = tpu.memref_slice %arg8[%run_scoped3A_12, %dma_start3A_88, %dma_start3A_89] : memref<2x64x128xf32, #tpu.memory_space<vmem>> -> memref<1x64x128xf32, #tpu.memory_space<vmem>>
      %dma_start3A_91 = tpu.memref_squeeze %dma_start3A_90 : memref<1x64x128xf32, #tpu.memory_space<vmem>> -> memref<64x128xf32, #tpu.memory_space<vmem>>
      tpu.enqueue_dma source(%dma_start3A_91 : memref<64x128xf32, #tpu.memory_space<vmem>>) target(%dma_start3A_87 : memref<64x128xf32, #tpu.memory_space<vmem_shared>>) target_semaphore(%run_scoped3A_80 : memref<!tpu.dma_semaphore, #tpu.memory_space<semaphore_mem>>)
      %dma_wait3A = arith.constant 0 : i32
      %dma_wait3A_92 = arith.constant 0 : i32
      %dma_wait3A_93 = tpu.memref_slice %arg8[%run_scoped3A_12, %dma_wait3A, %dma_wait3A_92] : memref<2x64x128xf32, #tpu.memory_space<vmem>> -> memref<1x64x128xf32, #tpu.memory_space<vmem>>
      %dma_wait3A_94 = tpu.memref_squeeze %dma_wait3A_93 : memref<1x64x128xf32, #tpu.memory_space<vmem>> -> memref<64x128xf32, #tpu.memory_space<vmem>>
      %dma_wait3A_95 = arith.constant 0 : i32
      %dma_wait3A_96 = tpu.memref_slice %arg9[%add3A_11, %dma_wait3A_95] : memref<10240x128xf32, #tpu.memory_space<vmem_shared>> -> memref<64x128xf32, #tpu.memory_space<vmem_shared>>
      %dma_wait3A_97 = arith.constant 0 : i32
      %dma_wait3A_98 = tpu.memref_slice %arg9[%add3A_11, %dma_wait3A_97] : memref<10240x128xf32, #tpu.memory_space<vmem_shared>> -> memref<64x128xf32, #tpu.memory_space<vmem_shared>>
      %dma_wait3A_99 = arith.constant 0 : i32
      %dma_wait3A_100 = arith.constant 0 : i32
      %dma_wait3A_101 = tpu.memref_slice %arg8[%run_scoped3A_12, %dma_wait3A_99, %dma_wait3A_100] : memref<2x64x128xf32, #tpu.memory_space<vmem>> -> memref<1x64x128xf32, #tpu.memory_space<vmem>>
      %dma_wait3A_102 = tpu.memref_squeeze %dma_wait3A_101 : memref<1x64x128xf32, #tpu.memory_space<vmem>> -> memref<64x128xf32, #tpu.memory_space<vmem>>
      tpu.wait_dma2 semaphore(%run_scoped3A_80 : memref<!tpu.dma_semaphore, #tpu.memory_space<semaphore_mem>>) src(%dma_wait3A_102 : memref<64x128xf32, #tpu.memory_space<vmem>>) dst(%dma_wait3A_98 : memref<64x128xf32, #tpu.memory_space<vmem_shared>>)
      tpu.yield
    }) : () -> ()
    %mul3A_13 = arith.constant 640 : i32
    %mul3A_14 = arith.muli %arg1, %mul3A_13 : i32
    %add3A_15 = arith.constant 128 : i32
    %add3A_16 = arith.addi %mul3A_14, %add3A_15 : i32
    %run_scoped3A_17 = arith.constant 0 : i32
    "tpu.region"() ({
      %run_scoped3A_80 = tpu.sem_alloc : memref<!tpu.dma_semaphore, #tpu.memory_space<semaphore_mem>>
      %dma_start3A = arith.constant 0 : i32
      %dma_start3A_81 = arith.constant 0 : i32
      %dma_start3A_82 = tpu.memref_slice %arg8[%run_scoped3A_17, %dma_start3A, %dma_start3A_81] : memref<2x64x128xf32, #tpu.memory_space<vmem>> -> memref<1x64x128xf32, #tpu.memory_space<vmem>>
      %dma_start3A_83 = tpu.memref_squeeze %dma_start3A_82 : memref<1x64x128xf32, #tpu.memory_space<vmem>> -> memref<64x128xf32, #tpu.memory_space<vmem>>
      %dma_start3A_84 = arith.constant 0 : i32
      %dma_start3A_85 = tpu.memref_slice %arg9[%add3A_16, %dma_start3A_84] : memref<10240x128xf32, #tpu.memory_space<vmem_shared>> -> memref<64x128xf32, #tpu.memory_space<vmem_shared>>
      %dma_start3A_86 = arith.constant 0 : i32
      %dma_start3A_87 = tpu.memref_slice %arg9[%add3A_16, %dma_start3A_86] : memref<10240x128xf32, #tpu.memory_space<vmem_shared>> -> memref<64x128xf32, #tpu.memory_space<vmem_shared>>
      %dma_start3A_88 = arith.constant 0 : i32
      %dma_start3A_89 = arith.constant 0 : i32
      %dma_start3A_90 = tpu.memref_slice %arg8[%run_scoped3A_17, %dma_start3A_88, %dma_start3A_89] : memref<2x64x128xf32, #tpu.memory_space<vmem>> -> memref<1x64x128xf32, #tpu.memory_space<vmem>>
      %dma_start3A_91 = tpu.memref_squeeze %dma_start3A_90 : memref<1x64x128xf32, #tpu.memory_space<vmem>> -> memref<64x128xf32, #tpu.memory_space<vmem>>
      tpu.enqueue_dma source(%dma_start3A_91 : memref<64x128xf32, #tpu.memory_space<vmem>>) target(%dma_start3A_87 : memref<64x128xf32, #tpu.memory_space<vmem_shared>>) target_semaphore(%run_scoped3A_80 : memref<!tpu.dma_semaphore, #tpu.memory_space<semaphore_mem>>)
      %dma_wait3A = arith.constant 0 : i32
      %dma_wait3A_92 = arith.constant 0 : i32
      %dma_wait3A_93 = tpu.memref_slice %arg8[%run_scoped3A_17, %dma_wait3A, %dma_wait3A_92] : memref<2x64x128xf32, #tpu.memory_space<vmem>> -> memref<1x64x128xf32, #tpu.memory_space<vmem>>
      %dma_wait3A_94 = tpu.memref_squeeze %dma_wait3A_93 : memref<1x64x128xf32, #tpu.memory_space<vmem>> -> memref<64x128xf32, #tpu.memory_space<vmem>>
      %dma_wait3A_95 = arith.constant 0 : i32
      %dma_wait3A_96 = tpu.memref_slice %arg9[%add3A_16, %dma_wait3A_95] : memref<10240x128xf32, #tpu.memory_space<vmem_shared>> -> memref<64x128xf32, #tpu.memory_space<vmem_shared>>
      %dma_wait3A_97 = arith.constant 0 : i32
      %dma_wait3A_98 = tpu.memref_slice %arg9[%add3A_16, %dma_wait3A_97] : memref<10240x128xf32, #tpu.memory_space<vmem_shared>> -> memref<64x128xf32, #tpu.memory_space<vmem_shared>>
      %dma_wait3A_99 = arith.constant 0 : i32
      %dma_wait3A_100 = arith.constant 0 : i32
      %dma_wait3A_101 = tpu.memref_slice %arg8[%run_scoped3A_17, %dma_wait3A_99, %dma_wait3A_100] : memref<2x64x128xf32, #tpu.memory_space<vmem>> -> memref<1x64x128xf32, #tpu.memory_space<vmem>>
      %dma_wait3A_102 = tpu.memref_squeeze %dma_wait3A_101 : memref<1x64x128xf32, #tpu.memory_space<vmem>> -> memref<64x128xf32, #tpu.memory_space<vmem>>
      tpu.wait_dma2 semaphore(%run_scoped3A_80 : memref<!tpu.dma_semaphore, #tpu.memory_space<semaphore_mem>>) src(%dma_wait3A_102 : memref<64x128xf32, #tpu.memory_space<vmem>>) dst(%dma_wait3A_98 : memref<64x128xf32, #tpu.memory_space<vmem_shared>>)
      tpu.yield
    }) : () -> ()
    %mul3A_18 = arith.constant 640 : i32
    %mul3A_19 = arith.muli %arg1, %mul3A_18 : i32
    %add3A_20 = arith.constant 192 : i32
    %add3A_21 = arith.addi %mul3A_19, %add3A_20 : i32
    %run_scoped3A_22 = arith.constant 0 : i32
    "tpu.region"() ({
      %run_scoped3A_80 = tpu.sem_alloc : memref<!tpu.dma_semaphore, #tpu.memory_space<semaphore_mem>>
      %dma_start3A = arith.constant 0 : i32
      %dma_start3A_81 = arith.constant 0 : i32
      %dma_start3A_82 = tpu.memref_slice %arg8[%run_scoped3A_22, %dma_start3A, %dma_start3A_81] : memref<2x64x128xf32, #tpu.memory_space<vmem>> -> memref<1x64x128xf32, #tpu.memory_space<vmem>>
      %dma_start3A_83 = tpu.memref_squeeze %dma_start3A_82 : memref<1x64x128xf32, #tpu.memory_space<vmem>> -> memref<64x128xf32, #tpu.memory_space<vmem>>
      %dma_start3A_84 = arith.constant 0 : i32
      %dma_start3A_85 = tpu.memref_slice %arg9[%add3A_21, %dma_start3A_84] : memref<10240x128xf32, #tpu.memory_space<vmem_shared>> -> memref<64x128xf32, #tpu.memory_space<vmem_shared>>
      %dma_start3A_86 = arith.constant 0 : i32
      %dma_start3A_87 = tpu.memref_slice %arg9[%add3A_21, %dma_start3A_86] : memref<10240x128xf32, #tpu.memory_space<vmem_shared>> -> memref<64x128xf32, #tpu.memory_space<vmem_shared>>
      %dma_start3A_88 = arith.constant 0 : i32
      %dma_start3A_89 = arith.constant 0 : i32
      %dma_start3A_90 = tpu.memref_slice %arg8[%run_scoped3A_22, %dma_start3A_88, %dma_start3A_89] : memref<2x64x128xf32, #tpu.memory_space<vmem>> -> memref<1x64x128xf32, #tpu.memory_space<vmem>>
      %dma_start3A_91 = tpu.memref_squeeze %dma_start3A_90 : memref<1x64x128xf32, #tpu.memory_space<vmem>> -> memref<64x128xf32, #tpu.memory_space<vmem>>
      tpu.enqueue_dma source(%dma_start3A_91 : memref<64x128xf32, #tpu.memory_space<vmem>>) target(%dma_start3A_87 : memref<64x128xf32, #tpu.memory_space<vmem_shared>>) target_semaphore(%run_scoped3A_80 : memref<!tpu.dma_semaphore, #tpu.memory_space<semaphore_mem>>)
      %dma_wait3A = arith.constant 0 : i32
      %dma_wait3A_92 = arith.constant 0 : i32
      %dma_wait3A_93 = tpu.memref_slice %arg8[%run_scoped3A_22, %dma_wait3A, %dma_wait3A_92] : memref<2x64x128xf32, #tpu.memory_space<vmem>> -> memref<1x64x128xf32, #tpu.memory_space<vmem>>
      %dma_wait3A_94 = tpu.memref_squeeze %dma_wait3A_93 : memref<1x64x128xf32, #tpu.memory_space<vmem>> -> memref<64x128xf32, #tpu.memory_space<vmem>>
      %dma_wait3A_95 = arith.constant 0 : i32
      %dma_wait3A_96 = tpu.memref_slice %arg9[%add3A_21, %dma_wait3A_95] : memref<10240x128xf32, #tpu.memory_space<vmem_shared>> -> memref<64x128xf32, #tpu.memory_space<vmem_shared>>
      %dma_wait3A_97 = arith.constant 0 : i32
      %dma_wait3A_98 = tpu.memref_slice %arg9[%add3A_21, %dma_wait3A_97] : memref<10240x128xf32, #tpu.memory_space<vmem_shared>> -> memref<64x128xf32, #tpu.memory_space<vmem_shared>>
      %dma_wait3A_99 = arith.constant 0 : i32
      %dma_wait3A_100 = arith.constant 0 : i32
      %dma_wait3A_101 = tpu.memref_slice %arg8[%run_scoped3A_22, %dma_wait3A_99, %dma_wait3A_100] : memref<2x64x128xf32, #tpu.memory_space<vmem>> -> memref<1x64x128xf32, #tpu.memory_space<vmem>>
      %dma_wait3A_102 = tpu.memref_squeeze %dma_wait3A_101 : memref<1x64x128xf32, #tpu.memory_space<vmem>> -> memref<64x128xf32, #tpu.memory_space<vmem>>
      tpu.wait_dma2 semaphore(%run_scoped3A_80 : memref<!tpu.dma_semaphore, #tpu.memory_space<semaphore_mem>>) src(%dma_wait3A_102 : memref<64x128xf32, #tpu.memory_space<vmem>>) dst(%dma_wait3A_98 : memref<64x128xf32, #tpu.memory_space<vmem_shared>>)
      tpu.yield
    }) : () -> ()
    %mul3A_23 = arith.constant 640 : i32
    %mul3A_24 = arith.muli %arg1, %mul3A_23 : i32
    %add3A_25 = arith.constant 256 : i32
    %add3A_26 = arith.addi %mul3A_24, %add3A_25 : i32
    %run_scoped3A_27 = arith.constant 0 : i32
    "tpu.region"() ({
      %run_scoped3A_80 = tpu.sem_alloc : memref<!tpu.dma_semaphore, #tpu.memory_space<semaphore_mem>>
      %dma_start3A = arith.constant 0 : i32
      %dma_start3A_81 = arith.constant 0 : i32
      %dma_start3A_82 = tpu.memref_slice %arg8[%run_scoped3A_27, %dma_start3A, %dma_start3A_81] : memref<2x64x128xf32, #tpu.memory_space<vmem>> -> memref<1x64x128xf32, #tpu.memory_space<vmem>>
      %dma_start3A_83 = tpu.memref_squeeze %dma_start3A_82 : memref<1x64x128xf32, #tpu.memory_space<vmem>> -> memref<64x128xf32, #tpu.memory_space<vmem>>
      %dma_start3A_84 = arith.constant 0 : i32
      %dma_start3A_85 = tpu.memref_slice %arg9[%add3A_26, %dma_start3A_84] : memref<10240x128xf32, #tpu.memory_space<vmem_shared>> -> memref<64x128xf32, #tpu.memory_space<vmem_shared>>
      %dma_start3A_86 = arith.constant 0 : i32
      %dma_start3A_87 = tpu.memref_slice %arg9[%add3A_26, %dma_start3A_86] : memref<10240x128xf32, #tpu.memory_space<vmem_shared>> -> memref<64x128xf32, #tpu.memory_space<vmem_shared>>
      %dma_start3A_88 = arith.constant 0 : i32
      %dma_start3A_89 = arith.constant 0 : i32
      %dma_start3A_90 = tpu.memref_slice %arg8[%run_scoped3A_27, %dma_start3A_88, %dma_start3A_89] : memref<2x64x128xf32, #tpu.memory_space<vmem>> -> memref<1x64x128xf32, #tpu.memory_space<vmem>>
      %dma_start3A_91 = tpu.memref_squeeze %dma_start3A_90 : memref<1x64x128xf32, #tpu.memory_space<vmem>> -> memref<64x128xf32, #tpu.memory_space<vmem>>
      tpu.enqueue_dma source(%dma_start3A_91 : memref<64x128xf32, #tpu.memory_space<vmem>>) target(%dma_start3A_87 : memref<64x128xf32, #tpu.memory_space<vmem_shared>>) target_semaphore(%run_scoped3A_80 : memref<!tpu.dma_semaphore, #tpu.memory_space<semaphore_mem>>)
      %dma_wait3A = arith.constant 0 : i32
      %dma_wait3A_92 = arith.constant 0 : i32
      %dma_wait3A_93 = tpu.memref_slice %arg8[%run_scoped3A_27, %dma_wait3A, %dma_wait3A_92] : memref<2x64x128xf32, #tpu.memory_space<vmem>> -> memref<1x64x128xf32, #tpu.memory_space<vmem>>
      %dma_wait3A_94 = tpu.memref_squeeze %dma_wait3A_93 : memref<1x64x128xf32, #tpu.memory_space<vmem>> -> memref<64x128xf32, #tpu.memory_space<vmem>>
      %dma_wait3A_95 = arith.constant 0 : i32
      %dma_wait3A_96 = tpu.memref_slice %arg9[%add3A_26, %dma_wait3A_95] : memref<10240x128xf32, #tpu.memory_space<vmem_shared>> -> memref<64x128xf32, #tpu.memory_space<vmem_shared>>
      %dma_wait3A_97 = arith.constant 0 : i32
      %dma_wait3A_98 = tpu.memref_slice %arg9[%add3A_26, %dma_wait3A_97] : memref<10240x128xf32, #tpu.memory_space<vmem_shared>> -> memref<64x128xf32, #tpu.memory_space<vmem_shared>>
      %dma_wait3A_99 = arith.constant 0 : i32
      %dma_wait3A_100 = arith.constant 0 : i32
      %dma_wait3A_101 = tpu.memref_slice %arg8[%run_scoped3A_27, %dma_wait3A_99, %dma_wait3A_100] : memref<2x64x128xf32, #tpu.memory_space<vmem>> -> memref<1x64x128xf32, #tpu.memory_space<vmem>>
      %dma_wait3A_102 = tpu.memref_squeeze %dma_wait3A_101 : memref<1x64x128xf32, #tpu.memory_space<vmem>> -> memref<64x128xf32, #tpu.memory_space<vmem>>
      tpu.wait_dma2 semaphore(%run_scoped3A_80 : memref<!tpu.dma_semaphore, #tpu.memory_space<semaphore_mem>>) src(%dma_wait3A_102 : memref<64x128xf32, #tpu.memory_space<vmem>>) dst(%dma_wait3A_98 : memref<64x128xf32, #tpu.memory_space<vmem_shared>>)
      tpu.yield
    }) : () -> ()
    %mul3A_28 = arith.constant 640 : i32
    %mul3A_29 = arith.muli %arg1, %mul3A_28 : i32
    %add3A_30 = arith.constant 320 : i32
    %add3A_31 = arith.addi %mul3A_29, %add3A_30 : i32
    %run_scoped3A_32 = arith.constant 0 : i32
    "tpu.region"() ({
      %run_scoped3A_80 = tpu.sem_alloc : memref<!tpu.dma_semaphore, #tpu.memory_space<semaphore_mem>>
      %dma_start3A = arith.constant 0 : i32
      %dma_start3A_81 = arith.constant 0 : i32
      %dma_start3A_82 = tpu.memref_slice %arg8[%run_scoped3A_32, %dma_start3A, %dma_start3A_81] : memref<2x64x128xf32, #tpu.memory_space<vmem>> -> memref<1x64x128xf32, #tpu.memory_space<vmem>>
      %dma_start3A_83 = tpu.memref_squeeze %dma_start3A_82 : memref<1x64x128xf32, #tpu.memory_space<vmem>> -> memref<64x128xf32, #tpu.memory_space<vmem>>
      %dma_start3A_84 = arith.constant 0 : i32
      %dma_start3A_85 = tpu.memref_slice %arg9[%add3A_31, %dma_start3A_84] : memref<10240x128xf32, #tpu.memory_space<vmem_shared>> -> memref<64x128xf32, #tpu.memory_space<vmem_shared>>
      %dma_start3A_86 = arith.constant 0 : i32
      %dma_start3A_87 = tpu.memref_slice %arg9[%add3A_31, %dma_start3A_86] : memref<10240x128xf32, #tpu.memory_space<vmem_shared>> -> memref<64x128xf32, #tpu.memory_space<vmem_shared>>
      %dma_start3A_88 = arith.constant 0 : i32
      %dma_start3A_89 = arith.constant 0 : i32
      %dma_start3A_90 = tpu.memref_slice %arg8[%run_scoped3A_32, %dma_start3A_88, %dma_start3A_89] : memref<2x64x128xf32, #tpu.memory_space<vmem>> -> memref<1x64x128xf32, #tpu.memory_space<vmem>>
      %dma_start3A_91 = tpu.memref_squeeze %dma_start3A_90 : memref<1x64x128xf32, #tpu.memory_space<vmem>> -> memref<64x128xf32, #tpu.memory_space<vmem>>
      tpu.enqueue_dma source(%dma_start3A_91 : memref<64x128xf32, #tpu.memory_space<vmem>>) target(%dma_start3A_87 : memref<64x128xf32, #tpu.memory_space<vmem_shared>>) target_semaphore(%run_scoped3A_80 : memref<!tpu.dma_semaphore, #tpu.memory_space<semaphore_mem>>)
      %dma_wait3A = arith.constant 0 : i32
      %dma_wait3A_92 = arith.constant 0 : i32
      %dma_wait3A_93 = tpu.memref_slice %arg8[%run_scoped3A_32, %dma_wait3A, %dma_wait3A_92] : memref<2x64x128xf32, #tpu.memory_space<vmem>> -> memref<1x64x128xf32, #tpu.memory_space<vmem>>
      %dma_wait3A_94 = tpu.memref_squeeze %dma_wait3A_93 : memref<1x64x128xf32, #tpu.memory_space<vmem>> -> memref<64x128xf32, #tpu.memory_space<vmem>>
      %dma_wait3A_95 = arith.constant 0 : i32
      %dma_wait3A_96 = tpu.memref_slice %arg9[%add3A_31, %dma_wait3A_95] : memref<10240x128xf32, #tpu.memory_space<vmem_shared>> -> memref<64x128xf32, #tpu.memory_space<vmem_shared>>
      %dma_wait3A_97 = arith.constant 0 : i32
      %dma_wait3A_98 = tpu.memref_slice %arg9[%add3A_31, %dma_wait3A_97] : memref<10240x128xf32, #tpu.memory_space<vmem_shared>> -> memref<64x128xf32, #tpu.memory_space<vmem_shared>>
      %dma_wait3A_99 = arith.constant 0 : i32
      %dma_wait3A_100 = arith.constant 0 : i32
      %dma_wait3A_101 = tpu.memref_slice %arg8[%run_scoped3A_32, %dma_wait3A_99, %dma_wait3A_100] : memref<2x64x128xf32, #tpu.memory_space<vmem>> -> memref<1x64x128xf32, #tpu.memory_space<vmem>>
      %dma_wait3A_102 = tpu.memref_squeeze %dma_wait3A_101 : memref<1x64x128xf32, #tpu.memory_space<vmem>> -> memref<64x128xf32, #tpu.memory_space<vmem>>
      tpu.wait_dma2 semaphore(%run_scoped3A_80 : memref<!tpu.dma_semaphore, #tpu.memory_space<semaphore_mem>>) src(%dma_wait3A_102 : memref<64x128xf32, #tpu.memory_space<vmem>>) dst(%dma_wait3A_98 : memref<64x128xf32, #tpu.memory_space<vmem_shared>>)
      tpu.yield
    }) : () -> ()
    %mul3A_33 = arith.constant 640 : i32
    %mul3A_34 = arith.muli %arg1, %mul3A_33 : i32
    %add3A_35 = arith.constant 384 : i32
    %add3A_36 = arith.addi %mul3A_34, %add3A_35 : i32
    %run_scoped3A_37 = arith.constant 0 : i32
    "tpu.region"() ({
      %run_scoped3A_80 = tpu.sem_alloc : memref<!tpu.dma_semaphore, #tpu.memory_space<semaphore_mem>>
      %dma_start3A = arith.constant 0 : i32
      %dma_start3A_81 = arith.constant 0 : i32
      %dma_start3A_82 = tpu.memref_slice %arg8[%run_scoped3A_37, %dma_start3A, %dma_start3A_81] : memref<2x64x128xf32, #tpu.memory_space<vmem>> -> memref<1x64x128xf32, #tpu.memory_space<vmem>>
      %dma_start3A_83 = tpu.memref_squeeze %dma_start3A_82 : memref<1x64x128xf32, #tpu.memory_space<vmem>> -> memref<64x128xf32, #tpu.memory_space<vmem>>
      %dma_start3A_84 = arith.constant 0 : i32
      %dma_start3A_85 = tpu.memref_slice %arg9[%add3A_36, %dma_start3A_84] : memref<10240x128xf32, #tpu.memory_space<vmem_shared>> -> memref<64x128xf32, #tpu.memory_space<vmem_shared>>
      %dma_start3A_86 = arith.constant 0 : i32
      %dma_start3A_87 = tpu.memref_slice %arg9[%add3A_36, %dma_start3A_86] : memref<10240x128xf32, #tpu.memory_space<vmem_shared>> -> memref<64x128xf32, #tpu.memory_space<vmem_shared>>
      %dma_start3A_88 = arith.constant 0 : i32
      %dma_start3A_89 = arith.constant 0 : i32
      %dma_start3A_90 = tpu.memref_slice %arg8[%run_scoped3A_37, %dma_start3A_88, %dma_start3A_89] : memref<2x64x128xf32, #tpu.memory_space<vmem>> -> memref<1x64x128xf32, #tpu.memory_space<vmem>>
      %dma_start3A_91 = tpu.memref_squeeze %dma_start3A_90 : memref<1x64x128xf32, #tpu.memory_space<vmem>> -> memref<64x128xf32, #tpu.memory_space<vmem>>
      tpu.enqueue_dma source(%dma_start3A_91 : memref<64x128xf32, #tpu.memory_space<vmem>>) target(%dma_start3A_87 : memref<64x128xf32, #tpu.memory_space<vmem_shared>>) target_semaphore(%run_scoped3A_80 : memref<!tpu.dma_semaphore, #tpu.memory_space<semaphore_mem>>)
      %dma_wait3A = arith.constant 0 : i32
      %dma_wait3A_92 = arith.constant 0 : i32
      %dma_wait3A_93 = tpu.memref_slice %arg8[%run_scoped3A_37, %dma_wait3A, %dma_wait3A_92] : memref<2x64x128xf32, #tpu.memory_space<vmem>> -> memref<1x64x128xf32, #tpu.memory_space<vmem>>
      %dma_wait3A_94 = tpu.memref_squeeze %dma_wait3A_93 : memref<1x64x128xf32, #tpu.memory_space<vmem>> -> memref<64x128xf32, #tpu.memory_space<vmem>>
      %dma_wait3A_95 = arith.constant 0 : i32
      %dma_wait3A_96 = tpu.memref_slice %arg9[%add3A_36, %dma_wait3A_95] : memref<10240x128xf32, #tpu.memory_space<vmem_shared>> -> memref<64x128xf32, #tpu.memory_space<vmem_shared>>
      %dma_wait3A_97 = arith.constant 0 : i32
      %dma_wait3A_98 = tpu.memref_slice %arg9[%add3A_36, %dma_wait3A_97] : memref<10240x128xf32, #tpu.memory_space<vmem_shared>> -> memref<64x128xf32, #tpu.memory_space<vmem_shared>>
      %dma_wait3A_99 = arith.constant 0 : i32
      %dma_wait3A_100 = arith.constant 0 : i32
      %dma_wait3A_101 = tpu.memref_slice %arg8[%run_scoped3A_37, %dma_wait3A_99, %dma_wait3A_100] : memref<2x64x128xf32, #tpu.memory_space<vmem>> -> memref<1x64x128xf32, #tpu.memory_space<vmem>>
      %dma_wait3A_102 = tpu.memref_squeeze %dma_wait3A_101 : memref<1x64x128xf32, #tpu.memory_space<vmem>> -> memref<64x128xf32, #tpu.memory_space<vmem>>
      tpu.wait_dma2 semaphore(%run_scoped3A_80 : memref<!tpu.dma_semaphore, #tpu.memory_space<semaphore_mem>>) src(%dma_wait3A_102 : memref<64x128xf32, #tpu.memory_space<vmem>>) dst(%dma_wait3A_98 : memref<64x128xf32, #tpu.memory_space<vmem_shared>>)
      tpu.yield
    }) : () -> ()
    %mul3A_38 = arith.constant 640 : i32
    %mul3A_39 = arith.muli %arg1, %mul3A_38 : i32
    %add3A_40 = arith.constant 448 : i32
    %add3A_41 = arith.addi %mul3A_39, %add3A_40 : i32
    %run_scoped3A_42 = arith.constant 0 : i32
    "tpu.region"() ({
      %run_scoped3A_80 = tpu.sem_alloc : memref<!tpu.dma_semaphore, #tpu.memory_space<semaphore_mem>>
      %dma_start3A = arith.constant 0 : i32
      %dma_start3A_81 = arith.constant 0 : i32
      %dma_start3A_82 = tpu.memref_slice %arg8[%run_scoped3A_42, %dma_start3A, %dma_start3A_81] : memref<2x64x128xf32, #tpu.memory_space<vmem>> -> memref<1x64x128xf32, #tpu.memory_space<vmem>>
      %dma_start3A_83 = tpu.memref_squeeze %dma_start3A_82 : memref<1x64x128xf32, #tpu.memory_space<vmem>> -> memref<64x128xf32, #tpu.memory_space<vmem>>
      %dma_start3A_84 = arith.constant 0 : i32
      %dma_start3A_85 = tpu.memref_slice %arg9[%add3A_41, %dma_start3A_84] : memref<10240x128xf32, #tpu.memory_space<vmem_shared>> -> memref<64x128xf32, #tpu.memory_space<vmem_shared>>
      %dma_start3A_86 = arith.constant 0 : i32
      %dma_start3A_87 = tpu.memref_slice %arg9[%add3A_41, %dma_start3A_86] : memref<10240x128xf32, #tpu.memory_space<vmem_shared>> -> memref<64x128xf32, #tpu.memory_space<vmem_shared>>
      %dma_start3A_88 = arith.constant 0 : i32
      %dma_start3A_89 = arith.constant 0 : i32
      %dma_start3A_90 = tpu.memref_slice %arg8[%run_scoped3A_42, %dma_start3A_88, %dma_start3A_89] : memref<2x64x128xf32, #tpu.memory_space<vmem>> -> memref<1x64x128xf32, #tpu.memory_space<vmem>>
      %dma_start3A_91 = tpu.memref_squeeze %dma_start3A_90 : memref<1x64x128xf32, #tpu.memory_space<vmem>> -> memref<64x128xf32, #tpu.memory_space<vmem>>
      tpu.enqueue_dma source(%dma_start3A_91 : memref<64x128xf32, #tpu.memory_space<vmem>>) target(%dma_start3A_87 : memref<64x128xf32, #tpu.memory_space<vmem_shared>>) target_semaphore(%run_scoped3A_80 : memref<!tpu.dma_semaphore, #tpu.memory_space<semaphore_mem>>)
      %dma_wait3A = arith.constant 0 : i32
      %dma_wait3A_92 = arith.constant 0 : i32
      %dma_wait3A_93 = tpu.memref_slice %arg8[%run_scoped3A_42, %dma_wait3A, %dma_wait3A_92] : memref<2x64x128xf32, #tpu.memory_space<vmem>> -> memref<1x64x128xf32, #tpu.memory_space<vmem>>
      %dma_wait3A_94 = tpu.memref_squeeze %dma_wait3A_93 : memref<1x64x128xf32, #tpu.memory_space<vmem>> -> memref<64x128xf32, #tpu.memory_space<vmem>>
      %dma_wait3A_95 = arith.constant 0 : i32
      %dma_wait3A_96 = tpu.memref_slice %arg9[%add3A_41, %dma_wait3A_95] : memref<10240x128xf32, #tpu.memory_space<vmem_shared>> -> memref<64x128xf32, #tpu.memory_space<vmem_shared>>
      %dma_wait3A_97 = arith.constant 0 : i32
      %dma_wait3A_98 = tpu.memref_slice %arg9[%add3A_41, %dma_wait3A_97] : memref<10240x128xf32, #tpu.memory_space<vmem_shared>> -> memref<64x128xf32, #tpu.memory_space<vmem_shared>>
      %dma_wait3A_99 = arith.constant 0 : i32
      %dma_wait3A_100 = arith.constant 0 : i32
      %dma_wait3A_101 = tpu.memref_slice %arg8[%run_scoped3A_42, %dma_wait3A_99, %dma_wait3A_100] : memref<2x64x128xf32, #tpu.memory_space<vmem>> -> memref<1x64x128xf32, #tpu.memory_space<vmem>>
      %dma_wait3A_102 = tpu.memref_squeeze %dma_wait3A_101 : memref<1x64x128xf32, #tpu.memory_space<vmem>> -> memref<64x128xf32, #tpu.memory_space<vmem>>
      tpu.wait_dma2 semaphore(%run_scoped3A_80 : memref<!tpu.dma_semaphore, #tpu.memory_space<semaphore_mem>>) src(%dma_wait3A_102 : memref<64x128xf32, #tpu.memory_space<vmem>>) dst(%dma_wait3A_98 : memref<64x128xf32, #tpu.memory_space<vmem_shared>>)
      tpu.yield
    }) : () -> ()
    %mul3A_43 = arith.constant 640 : i32
    %mul3A_44 = arith.muli %arg1, %mul3A_43 : i32
    %add3A_45 = arith.constant 512 : i32
    %add3A_46 = arith.addi %mul3A_44, %add3A_45 : i32
    %run_scoped3A_47 = arith.constant 0 : i32
    "tpu.region"() ({
      %run_scoped3A_80 = tpu.sem_alloc : memref<!tpu.dma_semaphore, #tpu.memory_space<semaphore_mem>>
      %dma_start3A = arith.constant 0 : i32
      %dma_start3A_81 = arith.constant 0 : i32
      %dma_start3A_82 = tpu.memref_slice %arg8[%run_scoped3A_47, %dma_start3A, %dma_start3A_81] : memref<2x64x128xf32, #tpu.memory_space<vmem>> -> memref<1x64x128xf32, #tpu.memory_space<vmem>>
      %dma_start3A_83 = tpu.memref_squeeze %dma_start3A_82 : memref<1x64x128xf32, #tpu.memory_space<vmem>> -> memref<64x128xf32, #tpu.memory_space<vmem>>
      %dma_start3A_84 = arith.constant 0 : i32
      %dma_start3A_85 = tpu.memref_slice %arg9[%add3A_46, %dma_start3A_84] : memref<10240x128xf32, #tpu.memory_space<vmem_shared>> -> memref<64x128xf32, #tpu.memory_space<vmem_shared>>
      %dma_start3A_86 = arith.constant 0 : i32
      %dma_start3A_87 = tpu.memref_slice %arg9[%add3A_46, %dma_start3A_86] : memref<10240x128xf32, #tpu.memory_space<vmem_shared>> -> memref<64x128xf32, #tpu.memory_space<vmem_shared>>
      %dma_start3A_88 = arith.constant 0 : i32
      %dma_start3A_89 = arith.constant 0 : i32
      %dma_start3A_90 = tpu.memref_slice %arg8[%run_scoped3A_47, %dma_start3A_88, %dma_start3A_89] : memref<2x64x128xf32, #tpu.memory_space<vmem>> -> memref<1x64x128xf32, #tpu.memory_space<vmem>>
      %dma_start3A_91 = tpu.memref_squeeze %dma_start3A_90 : memref<1x64x128xf32, #tpu.memory_space<vmem>> -> memref<64x128xf32, #tpu.memory_space<vmem>>
      tpu.enqueue_dma source(%dma_start3A_91 : memref<64x128xf32, #tpu.memory_space<vmem>>) target(%dma_start3A_87 : memref<64x128xf32, #tpu.memory_space<vmem_shared>>) target_semaphore(%run_scoped3A_80 : memref<!tpu.dma_semaphore, #tpu.memory_space<semaphore_mem>>)
      %dma_wait3A = arith.constant 0 : i32
      %dma_wait3A_92 = arith.constant 0 : i32
      %dma_wait3A_93 = tpu.memref_slice %arg8[%run_scoped3A_47, %dma_wait3A, %dma_wait3A_92] : memref<2x64x128xf32, #tpu.memory_space<vmem>> -> memref<1x64x128xf32, #tpu.memory_space<vmem>>
      %dma_wait3A_94 = tpu.memref_squeeze %dma_wait3A_93 : memref<1x64x128xf32, #tpu.memory_space<vmem>> -> memref<64x128xf32, #tpu.memory_space<vmem>>
      %dma_wait3A_95 = arith.constant 0 : i32
      %dma_wait3A_96 = tpu.memref_slice %arg9[%add3A_46, %dma_wait3A_95] : memref<10240x128xf32, #tpu.memory_space<vmem_shared>> -> memref<64x128xf32, #tpu.memory_space<vmem_shared>>
      %dma_wait3A_97 = arith.constant 0 : i32
      %dma_wait3A_98 = tpu.memref_slice %arg9[%add3A_46, %dma_wait3A_97] : memref<10240x128xf32, #tpu.memory_space<vmem_shared>> -> memref<64x128xf32, #tpu.memory_space<vmem_shared>>
      %dma_wait3A_99 = arith.constant 0 : i32
      %dma_wait3A_100 = arith.constant 0 : i32
      %dma_wait3A_101 = tpu.memref_slice %arg8[%run_scoped3A_47, %dma_wait3A_99, %dma_wait3A_100] : memref<2x64x128xf32, #tpu.memory_space<vmem>> -> memref<1x64x128xf32, #tpu.memory_space<vmem>>
      %dma_wait3A_102 = tpu.memref_squeeze %dma_wait3A_101 : memref<1x64x128xf32, #tpu.memory_space<vmem>> -> memref<64x128xf32, #tpu.memory_space<vmem>>
      tpu.wait_dma2 semaphore(%run_scoped3A_80 : memref<!tpu.dma_semaphore, #tpu.memory_space<semaphore_mem>>) src(%dma_wait3A_102 : memref<64x128xf32, #tpu.memory_space<vmem>>) dst(%dma_wait3A_98 : memref<64x128xf32, #tpu.memory_space<vmem_shared>>)
      tpu.yield
    }) : () -> ()
    %mul3A_48 = arith.constant 640 : i32
    %mul3A_49 = arith.muli %arg1, %mul3A_48 : i32
    %add3A_50 = arith.constant 576 : i32
    %add3A_51 = arith.addi %mul3A_49, %add3A_50 : i32
    %run_scoped3A_52 = arith.constant 0 : i32
    "tpu.region"() ({
      %run_scoped3A_80 = tpu.sem_alloc : memref<!tpu.dma_semaphore, #tpu.memory_space<semaphore_mem>>
      %dma_start3A = arith.constant 0 : i32
      %dma_start3A_81 = arith.constant 0 : i32
      %dma_start3A_82 = tpu.memref_slice %arg8[%run_scoped3A_52, %dma_start3A, %dma_start3A_81] : memref<2x64x128xf32, #tpu.memory_space<vmem>> -> memref<1x64x128xf32, #tpu.memory_space<vmem>>
      %dma_start3A_83 = tpu.memref_squeeze %dma_start3A_82 : memref<1x64x128xf32, #tpu.memory_space<vmem>> -> memref<64x128xf32, #tpu.memory_space<vmem>>
      %dma_start3A_84 = arith.constant 0 : i32
      %dma_start3A_85 = tpu.memref_slice %arg9[%add3A_51, %dma_start3A_84] : memref<10240x128xf32, #tpu.memory_space<vmem_shared>> -> memref<64x128xf32, #tpu.memory_space<vmem_shared>>
      %dma_start3A_86 = arith.constant 0 : i32
      %dma_start3A_87 = tpu.memref_slice %arg9[%add3A_51, %dma_start3A_86] : memref<10240x128xf32, #tpu.memory_space<vmem_shared>> -> memref<64x128xf32, #tpu.memory_space<vmem_shared>>
      %dma_start3A_88 = arith.constant 0 : i32
      %dma_start3A_89 = arith.constant 0 : i32
      %dma_start3A_90 = tpu.memref_slice %arg8[%run_scoped3A_52, %dma_start3A_88, %dma_start3A_89] : memref<2x64x128xf32, #tpu.memory_space<vmem>> -> memref<1x64x128xf32, #tpu.memory_space<vmem>>
      %dma_start3A_91 = tpu.memref_squeeze %dma_start3A_90 : memref<1x64x128xf32, #tpu.memory_space<vmem>> -> memref<64x128xf32, #tpu.memory_space<vmem>>
      tpu.enqueue_dma source(%dma_start3A_91 : memref<64x128xf32, #tpu.memory_space<vmem>>) target(%dma_start3A_87 : memref<64x128xf32, #tpu.memory_space<vmem_shared>>) target_semaphore(%run_scoped3A_80 : memref<!tpu.dma_semaphore, #tpu.memory_space<semaphore_mem>>)
      %dma_wait3A = arith.constant 0 : i32
      %dma_wait3A_92 = arith.constant 0 : i32
      %dma_wait3A_93 = tpu.memref_slice %arg8[%run_scoped3A_52, %dma_wait3A, %dma_wait3A_92] : memref<2x64x128xf32, #tpu.memory_space<vmem>> -> memref<1x64x128xf32, #tpu.memory_space<vmem>>
      %dma_wait3A_94 = tpu.memref_squeeze %dma_wait3A_93 : memref<1x64x128xf32, #tpu.memory_space<vmem>> -> memref<64x128xf32, #tpu.memory_space<vmem>>
      %dma_wait3A_95 = arith.constant 0 : i32
      %dma_wait3A_96 = tpu.memref_slice %arg9[%add3A_51, %dma_wait3A_95] : memref<10240x128xf32, #tpu.memory_space<vmem_shared>> -> memref<64x128xf32, #tpu.memory_space<vmem_shared>>
      %dma_wait3A_97 = arith.constant 0 : i32
      %dma_wait3A_98 = tpu.memref_slice %arg9[%add3A_51, %dma_wait3A_97] : memref<10240x128xf32, #tpu.memory_space<vmem_shared>> -> memref<64x128xf32, #tpu.memory_space<vmem_shared>>
      %dma_wait3A_99 = arith.constant 0 : i32
      %dma_wait3A_100 = arith.constant 0 : i32
      %dma_wait3A_101 = tpu.memref_slice %arg8[%run_scoped3A_52, %dma_wait3A_99, %dma_wait3A_100] : memref<2x64x128xf32, #tpu.memory_space<vmem>> -> memref<1x64x128xf32, #tpu.memory_space<vmem>>
      %dma_wait3A_102 = tpu.memref_squeeze %dma_wait3A_101 : memref<1x64x128xf32, #tpu.memory_space<vmem>> -> memref<64x128xf32, #tpu.memory_space<vmem>>
      tpu.wait_dma2 semaphore(%run_scoped3A_80 : memref<!tpu.dma_semaphore, #tpu.memory_space<semaphore_mem>>) src(%dma_wait3A_102 : memref<64x128xf32, #tpu.memory_space<vmem>>) dst(%dma_wait3A_98 : memref<64x128xf32, #tpu.memory_space<vmem_shared>>)
      tpu.yield
    }) : () -> ()
    %barrier3A = arith.constant 0 : index
    tpu.barrier barrier_id(%barrier3A)
    %eq3A = arith.constant 0 : i32
    %eq3A_53 = arith.cmpi eq, %arg0, %eq3A : i32
    %mul3A_54 = arith.constant 192 : i32
    %mul3A_55 = arith.muli %arg1, %mul3A_54 : i32
    %mul3A_56 = arith.constant 128 : i32
    %mul3A_57 = arith.muli %arg1, %mul3A_56 : i32
    %add3A_58 = arith.constant 3072 : i32
    %add3A_59 = arith.addi %add3A_58, %mul3A_57 : i32
    %select_n3A = arith.select %eq3A_53, %mul3A_55, %add3A_59 : i32
    %eq3A_60 = arith.constant 0 : i32
    %eq3A_61 = arith.cmpi eq, %arg0, %eq3A_60 : i32
    %jit3A = arith.constant 6 : i32
    %jit3A_62 = arith.constant 4 : i32
    %select_n3A_63 = arith.select %eq3A_61, %jit3A, %jit3A_62 : i32
    %while3A = arith.constant 0 : i32
    %while3A_64 = arith.constant 0 : i32
    %while3A_65 = arith.subi %select_n3A_63, %while3A : i32
    %while3A_66 = arith.addi %while3A, %while3A_65 : i32
    %while3A_67 = arith.constant 1 : i32
    %while3A_68 = arith.divsi %while3A_65, %while3A_67 : i32
    %while3A_69 = arith.muli %while3A_68, %while3A_67 : i32
    %while3A_70 = arith.addi %while3A, %while3A_69 : i32
    %while3A_71 = arith.constant 1 : i32
    %while3A_72 = scf.for %while3A_80 = %while3A to %while3A_70 step %while3A_71 iter_args(%while3A_81 = %while3A_64) -> (i32)  : i32 {
      %mul3A_82 = arith.constant 32 : i32
      %mul3A_83 = arith.muli %while3A_80, %mul3A_82 : i32
      %add3A_84 = arith.addi %select_n3A, %mul3A_83 : i32
      "tpu.region"() ({
        %run_scoped3A_143 = tpu.sem_alloc : memref<!tpu.dma_semaphore, #tpu.memory_space<semaphore_mem>>
        %dma_start3A_144 = arith.constant 0 : i32
        %dma_start3A_145 = tpu.memref_slice %arg3[%add3A_84, %dma_start3A_144] : memref<5120x64xi32, #tpu.memory_space<hbm>> -> memref<32x64xi32, #tpu.memory_space<hbm>>
        %dma_start3A_146 = arith.constant 0 : i32
        %dma_start3A_147 = tpu.memref_slice %arg3[%add3A_84, %dma_start3A_146] : memref<5120x64xi32, #tpu.memory_space<hbm>> -> memref<32x64xi32, #tpu.memory_space<hbm>>
        tpu.enqueue_dma source(%dma_start3A_147 : memref<32x64xi32, #tpu.memory_space<hbm>>) target(%arg6 : memref<32x64xi32, #tpu.memory_space<vmem>>) target_semaphore(%run_scoped3A_143 : memref<!tpu.dma_semaphore, #tpu.memory_space<semaphore_mem>>)
        %dma_wait3A_148 = arith.constant 0 : i32
        %dma_wait3A_149 = tpu.memref_slice %arg3[%add3A_84, %dma_wait3A_148] : memref<5120x64xi32, #tpu.memory_space<hbm>> -> memref<32x64xi32, #tpu.memory_space<hbm>>
        %dma_wait3A_150 = arith.constant 0 : i32
        %dma_wait3A_151 = tpu.memref_slice %arg3[%add3A_84, %dma_wait3A_150] : memref<5120x64xi32, #tpu.memory_space<hbm>> -> memref<32x64xi32, #tpu.memory_space<hbm>>
        tpu.wait_dma2 semaphore(%run_scoped3A_143 : memref<!tpu.dma_semaphore, #tpu.memory_space<semaphore_mem>>) src(%dma_wait3A_151 : memref<32x64xi32, #tpu.memory_space<hbm>>) dst(%arg6 : memref<32x64xi32, #tpu.memory_space<vmem>>)
        tpu.yield
      }) : () -> ()
      "tpu.region"() ({
        %run_scoped3A_143 = tpu.sem_alloc : memref<!tpu.dma_semaphore, #tpu.memory_space<semaphore_mem>>
        %dma_start3A_144 = arith.constant 0 : i32
        %dma_start3A_145 = tpu.memref_slice %arg4[%add3A_84, %dma_start3A_144] : memref<5120x64xi32, #tpu.memory_space<hbm>> -> memref<32x64xi32, #tpu.memory_space<hbm>>
        %dma_start3A_146 = arith.constant 0 : i32
        %dma_start3A_147 = tpu.memref_slice %arg4[%add3A_84, %dma_start3A_146] : memref<5120x64xi32, #tpu.memory_space<hbm>> -> memref<32x64xi32, #tpu.memory_space<hbm>>
        tpu.enqueue_dma source(%dma_start3A_147 : memref<32x64xi32, #tpu.memory_space<hbm>>) target(%arg7 : memref<32x64xi32, #tpu.memory_space<vmem>>) target_semaphore(%run_scoped3A_143 : memref<!tpu.dma_semaphore, #tpu.memory_space<semaphore_mem>>)
        %dma_wait3A_148 = arith.constant 0 : i32
        %dma_wait3A_149 = tpu.memref_slice %arg4[%add3A_84, %dma_wait3A_148] : memref<5120x64xi32, #tpu.memory_space<hbm>> -> memref<32x64xi32, #tpu.memory_space<hbm>>
        %dma_wait3A_150 = arith.constant 0 : i32
        %dma_wait3A_151 = tpu.memref_slice %arg4[%add3A_84, %dma_wait3A_150] : memref<5120x64xi32, #tpu.memory_space<hbm>> -> memref<32x64xi32, #tpu.memory_space<hbm>>
        tpu.wait_dma2 semaphore(%run_scoped3A_143 : memref<!tpu.dma_semaphore, #tpu.memory_space<semaphore_mem>>) src(%dma_wait3A_151 : memref<32x64xi32, #tpu.memory_space<hbm>>) dst(%arg7 : memref<32x64xi32, #tpu.memory_space<vmem>>)
        tpu.yield
      }) : () -> ()
      %dma_start3A = arith.constant 0 : i32
      %dma_start3A_85 = arith.constant 0 : i32
      %dma_start3A_86 = arith.constant 0 : i32
      %dma_start3A_87 = arith.constant 0 : i32
      %dma_start3A_88 = tpu.memref_slice %arg8[%dma_start3A_85, %dma_start3A_86, %dma_start3A_87] : memref<2x64x128xf32, #tpu.memory_space<vmem>> -> memref<1x64x128xf32, #tpu.memory_space<vmem>>
      %dma_start3A_89 = tpu.memref_squeeze %dma_start3A_88 : memref<1x64x128xf32, #tpu.memory_space<vmem>> -> memref<64x128xf32, #tpu.memory_space<vmem>>
      %dma_start3A_90 = arith.constant 0 : i32
      %dma_start3A_91 = tpu.memref_slice %arg6[%dma_start3A, %dma_start3A_90] : memref<32x64xi32, #tpu.memory_space<vmem>> -> memref<1x64xi32, #tpu.memory_space<vmem>>
      %dma_start3A_92 = tpu.memref_squeeze %dma_start3A_91 : memref<1x64xi32, #tpu.memory_space<vmem>> -> memref<64xi32, #tpu.memory_space<vmem>>
      %dma_start3A_93 = arith.constant 0 : i32
      %dma_start3A_94 = arith.constant 0 : i32
      %dma_start3A_95 = tpu.memref_slice %arg2[%dma_start3A_93, %dma_start3A_94] : memref<10240x128xf32, #tpu.memory_space<hbm>> -> memref<10240x128xf32, #tpu.memory_space<hbm>>
      tpu.enqueue_indirect_dma source(%dma_start3A_95 : memref<10240x128xf32, #tpu.memory_space<hbm>>) target(%dma_start3A_89 : memref<64x128xf32, #tpu.memory_space<vmem>>) offsets(%dma_start3A_92 : memref<64xi32, #tpu.memory_space<vmem>>) semaphore(%arg10 : memref<!tpu.dma_semaphore, #tpu.memory_space<semaphore_mem>>)
      %scan3A_96 = arith.constant 0 : i32
      %scan3A_97 = arith.constant 0 : i32
      %scan3A_98 = arith.constant 15 : i32
      %scan3A_99 = arith.addi %scan3A_97, %scan3A_98 : i32
      %scan3A_100 = arith.constant 1 : i32
      %scan3A_101 = scf.for %scan3A_143 = %scan3A_97 to %scan3A_99 step %scan3A_100 iter_args(%scan3A_144 = %scan3A_96) -> (i32)  : i32 {
        %mul3A_145 = arith.constant 2 : i32
        %mul3A_146 = arith.muli %scan3A_143, %mul3A_145 : i32
        %add3A_147 = arith.constant 1 : i32
        %add3A_148 = arith.addi %mul3A_146, %add3A_147 : i32
        %dma_start3A_149 = arith.constant 1 : i32
        %dma_start3A_150 = arith.constant 0 : i32
        %dma_start3A_151 = arith.constant 0 : i32
        %dma_start3A_152 = tpu.memref_slice %arg8[%dma_start3A_149, %dma_start3A_150, %dma_start3A_151] : memref<2x64x128xf32, #tpu.memory_space<vmem>> -> memref<1x64x128xf32, #tpu.memory_space<vmem>>
        %dma_start3A_153 = tpu.memref_squeeze %dma_start3A_152 : memref<1x64x128xf32, #tpu.memory_space<vmem>> -> memref<64x128xf32, #tpu.memory_space<vmem>>
        %dma_start3A_154 = arith.constant 0 : i32
        %dma_start3A_155 = tpu.memref_slice %arg6[%add3A_148, %dma_start3A_154] : memref<32x64xi32, #tpu.memory_space<vmem>> -> memref<1x64xi32, #tpu.memory_space<vmem>>
        %dma_start3A_156 = tpu.memref_squeeze %dma_start3A_155 : memref<1x64xi32, #tpu.memory_space<vmem>> -> memref<64xi32, #tpu.memory_space<vmem>>
        %dma_start3A_157 = arith.constant 0 : i32
        %dma_start3A_158 = arith.constant 0 : i32
        %dma_start3A_159 = tpu.memref_slice %arg2[%dma_start3A_157, %dma_start3A_158] : memref<10240x128xf32, #tpu.memory_space<hbm>> -> memref<10240x128xf32, #tpu.memory_space<hbm>>
        tpu.enqueue_indirect_dma source(%dma_start3A_159 : memref<10240x128xf32, #tpu.memory_space<hbm>>) target(%dma_start3A_153 : memref<64x128xf32, #tpu.memory_space<vmem>>) offsets(%dma_start3A_156 : memref<64xi32, #tpu.memory_space<vmem>>) semaphore(%arg11 : memref<!tpu.dma_semaphore, #tpu.memory_space<semaphore_mem>>)
        %dma_wait3A_160 = arith.constant 0 : i32
        %dma_wait3A_161 = arith.constant 0 : i32
        %dma_wait3A_162 = arith.constant 0 : i32
        %dma_wait3A_163 = tpu.memref_slice %arg8[%dma_wait3A_160, %dma_wait3A_161, %dma_wait3A_162] : memref<2x64x128xf32, #tpu.memory_space<vmem>> -> memref<1x64x128xf32, #tpu.memory_space<vmem>>
        %dma_wait3A_164 = tpu.memref_squeeze %dma_wait3A_163 : memref<1x64x128xf32, #tpu.memory_space<vmem>> -> memref<64x128xf32, #tpu.memory_space<vmem>>
        %dma_wait3A_165 = arith.constant 0 : i32
        %dma_wait3A_166 = tpu.memref_slice %arg6[%mul3A_146, %dma_wait3A_165] : memref<32x64xi32, #tpu.memory_space<vmem>> -> memref<1x64xi32, #tpu.memory_space<vmem>>
        %dma_wait3A_167 = tpu.memref_squeeze %dma_wait3A_166 : memref<1x64xi32, #tpu.memory_space<vmem>> -> memref<64xi32, #tpu.memory_space<vmem>>
        %dma_wait3A_168 = arith.constant 0 : i32
        %dma_wait3A_169 = arith.constant 0 : i32
        %dma_wait3A_170 = tpu.memref_slice %arg2[%dma_wait3A_168, %dma_wait3A_169] : memref<10240x128xf32, #tpu.memory_space<hbm>> -> memref<10240x128xf32, #tpu.memory_space<hbm>>
        tpu.wait_indirect_dma semaphore(%arg10 : memref<!tpu.dma_semaphore, #tpu.memory_space<semaphore_mem>>) src(%dma_wait3A_170 : memref<10240x128xf32, #tpu.memory_space<hbm>>) dst(%dma_wait3A_164 : memref<64x128xf32, #tpu.memory_space<vmem>>)
        %run_scoped3A_171 = arith.constant 0 : i32
        "tpu.region"() ({
          %run_scoped3A_202 = tpu.sem_alloc : memref<!tpu.dma_semaphore, #tpu.memory_space<semaphore_mem>>
          %dma_start3A_203 = arith.constant 0 : i32
          %dma_start3A_204 = arith.constant 0 : i32
          %dma_start3A_205 = tpu.memref_slice %arg8[%run_scoped3A_171, %dma_start3A_203, %dma_start3A_204] : memref<2x64x128xf32, #tpu.memory_space<vmem>> -> memref<1x64x128xf32, #tpu.memory_space<vmem>>
          %dma_start3A_206 = tpu.memref_squeeze %dma_start3A_205 : memref<1x64x128xf32, #tpu.memory_space<vmem>> -> memref<64x128xf32, #tpu.memory_space<vmem>>
          %dma_start3A_207 = arith.constant 0 : i32
          %dma_start3A_208 = tpu.memref_slice %arg7[%mul3A_146, %dma_start3A_207] : memref<32x64xi32, #tpu.memory_space<vmem>> -> memref<1x64xi32, #tpu.memory_space<vmem>>
          %dma_start3A_209 = tpu.memref_squeeze %dma_start3A_208 : memref<1x64xi32, #tpu.memory_space<vmem>> -> memref<64xi32, #tpu.memory_space<vmem>>
          %dma_start3A_210 = arith.constant 0 : i32
          %dma_start3A_211 = arith.constant 0 : i32
          %dma_start3A_212 = tpu.memref_slice %arg9[%dma_start3A_210, %dma_start3A_211] : memref<10240x128xf32, #tpu.memory_space<vmem_shared>> -> memref<10240x128xf32, #tpu.memory_space<vmem_shared>>
          tpu.enqueue_indirect_dma source(%dma_start3A_206 : memref<64x128xf32, #tpu.memory_space<vmem>>) target(%dma_start3A_212 : memref<10240x128xf32, #tpu.memory_space<vmem_shared>>) offsets(%dma_start3A_209 : memref<64xi32, #tpu.memory_space<vmem>>) semaphore(%run_scoped3A_202 : memref<!tpu.dma_semaphore, #tpu.memory_space<semaphore_mem>>) {add = true}
          %dma_wait3A_213 = arith.constant 0 : i32
          %dma_wait3A_214 = arith.constant 0 : i32
          %dma_wait3A_215 = tpu.memref_slice %arg8[%run_scoped3A_171, %dma_wait3A_213, %dma_wait3A_214] : memref<2x64x128xf32, #tpu.memory_space<vmem>> -> memref<1x64x128xf32, #tpu.memory_space<vmem>>
          %dma_wait3A_216 = tpu.memref_squeeze %dma_wait3A_215 : memref<1x64x128xf32, #tpu.memory_space<vmem>> -> memref<64x128xf32, #tpu.memory_space<vmem>>
          %dma_wait3A_217 = arith.constant 0 : i32
          %dma_wait3A_218 = tpu.memref_slice %arg7[%mul3A_146, %dma_wait3A_217] : memref<32x64xi32, #tpu.memory_space<vmem>> -> memref<1x64xi32, #tpu.memory_space<vmem>>
          %dma_wait3A_219 = tpu.memref_squeeze %dma_wait3A_218 : memref<1x64xi32, #tpu.memory_space<vmem>> -> memref<64xi32, #tpu.memory_space<vmem>>
          %dma_wait3A_220 = arith.constant 0 : i32
          %dma_wait3A_221 = arith.constant 0 : i32
          %dma_wait3A_222 = tpu.memref_slice %arg9[%dma_wait3A_220, %dma_wait3A_221] : memref<10240x128xf32, #tpu.memory_space<vmem_shared>> -> memref<10240x128xf32, #tpu.memory_space<vmem_shared>>
          tpu.wait_indirect_dma semaphore(%run_scoped3A_202 : memref<!tpu.dma_semaphore, #tpu.memory_space<semaphore_mem>>) src(%dma_wait3A_216 : memref<64x128xf32, #tpu.memory_space<vmem>>) dst(%dma_wait3A_222 : memref<10240x128xf32, #tpu.memory_space<vmem_shared>>)
          tpu.yield
        }) : () -> ()
        %mul3A_172 = arith.constant 2 : i32
        %mul3A_173 = arith.muli %scan3A_143, %mul3A_172 : i32
        %add3A_174 = arith.constant 1 : i32
        %add3A_175 = arith.addi %mul3A_173, %add3A_174 : i32
        %add3A_176 = arith.constant 1 : i32
        %add3A_177 = arith.addi %add3A_175, %add3A_176 : i32
        %dma_start3A_178 = arith.constant 0 : i32
        %dma_start3A_179 = arith.constant 0 : i32
        %dma_start3A_180 = arith.constant 0 : i32
        %dma_start3A_181 = tpu.memref_slice %arg8[%dma_start3A_178, %dma_start3A_179, %dma_start3A_180] : memref<2x64x128xf32, #tpu.memory_space<vmem>> -> memref<1x64x128xf32, #tpu.memory_space<vmem>>
        %dma_start3A_182 = tpu.memref_squeeze %dma_start3A_181 : memref<1x64x128xf32, #tpu.memory_space<vmem>> -> memref<64x128xf32, #tpu.memory_space<vmem>>
        %dma_start3A_183 = arith.constant 0 : i32
        %dma_start3A_184 = tpu.memref_slice %arg6[%add3A_177, %dma_start3A_183] : memref<32x64xi32, #tpu.memory_space<vmem>> -> memref<1x64xi32, #tpu.memory_space<vmem>>
        %dma_start3A_185 = tpu.memref_squeeze %dma_start3A_184 : memref<1x64xi32, #tpu.memory_space<vmem>> -> memref<64xi32, #tpu.memory_space<vmem>>
        %dma_start3A_186 = arith.constant 0 : i32
        %dma_start3A_187 = arith.constant 0 : i32
        %dma_start3A_188 = tpu.memref_slice %arg2[%dma_start3A_186, %dma_start3A_187] : memref<10240x128xf32, #tpu.memory_space<hbm>> -> memref<10240x128xf32, #tpu.memory_space<hbm>>
        tpu.enqueue_indirect_dma source(%dma_start3A_188 : memref<10240x128xf32, #tpu.memory_space<hbm>>) target(%dma_start3A_182 : memref<64x128xf32, #tpu.memory_space<vmem>>) offsets(%dma_start3A_185 : memref<64xi32, #tpu.memory_space<vmem>>) semaphore(%arg10 : memref<!tpu.dma_semaphore, #tpu.memory_space<semaphore_mem>>)
        %dma_wait3A_189 = arith.constant 1 : i32
        %dma_wait3A_190 = arith.constant 0 : i32
        %dma_wait3A_191 = arith.constant 0 : i32
        %dma_wait3A_192 = tpu.memref_slice %arg8[%dma_wait3A_189, %dma_wait3A_190, %dma_wait3A_191] : memref<2x64x128xf32, #tpu.memory_space<vmem>> -> memref<1x64x128xf32, #tpu.memory_space<vmem>>
        %dma_wait3A_193 = tpu.memref_squeeze %dma_wait3A_192 : memref<1x64x128xf32, #tpu.memory_space<vmem>> -> memref<64x128xf32, #tpu.memory_space<vmem>>
        %dma_wait3A_194 = arith.constant 0 : i32
        %dma_wait3A_195 = tpu.memref_slice %arg6[%add3A_175, %dma_wait3A_194] : memref<32x64xi32, #tpu.memory_space<vmem>> -> memref<1x64xi32, #tpu.memory_space<vmem>>
        %dma_wait3A_196 = tpu.memref_squeeze %dma_wait3A_195 : memref<1x64xi32, #tpu.memory_space<vmem>> -> memref<64xi32, #tpu.memory_space<vmem>>
        %dma_wait3A_197 = arith.constant 0 : i32
        %dma_wait3A_198 = arith.constant 0 : i32
        %dma_wait3A_199 = tpu.memref_slice %arg2[%dma_wait3A_197, %dma_wait3A_198] : memref<10240x128xf32, #tpu.memory_space<hbm>> -> memref<10240x128xf32, #tpu.memory_space<hbm>>
        tpu.wait_indirect_dma semaphore(%arg11 : memref<!tpu.dma_semaphore, #tpu.memory_space<semaphore_mem>>) src(%dma_wait3A_199 : memref<10240x128xf32, #tpu.memory_space<hbm>>) dst(%dma_wait3A_193 : memref<64x128xf32, #tpu.memory_space<vmem>>)
        %run_scoped3A_200 = arith.constant 1 : i32
        "tpu.region"() ({
          %run_scoped3A_202 = tpu.sem_alloc : memref<!tpu.dma_semaphore, #tpu.memory_space<semaphore_mem>>
          %dma_start3A_203 = arith.constant 0 : i32
          %dma_start3A_204 = arith.constant 0 : i32
          %dma_start3A_205 = tpu.memref_slice %arg8[%run_scoped3A_200, %dma_start3A_203, %dma_start3A_204] : memref<2x64x128xf32, #tpu.memory_space<vmem>> -> memref<1x64x128xf32, #tpu.memory_space<vmem>>
          %dma_start3A_206 = tpu.memref_squeeze %dma_start3A_205 : memref<1x64x128xf32, #tpu.memory_space<vmem>> -> memref<64x128xf32, #tpu.memory_space<vmem>>
          %dma_start3A_207 = arith.constant 0 : i32
          %dma_start3A_208 = tpu.memref_slice %arg7[%add3A_175, %dma_start3A_207] : memref<32x64xi32, #tpu.memory_space<vmem>> -> memref<1x64xi32, #tpu.memory_space<vmem>>
          %dma_start3A_209 = tpu.memref_squeeze %dma_start3A_208 : memref<1x64xi32, #tpu.memory_space<vmem>> -> memref<64xi32, #tpu.memory_space<vmem>>
          %dma_start3A_210 = arith.constant 0 : i32
          %dma_start3A_211 = arith.constant 0 : i32
          %dma_start3A_212 = tpu.memref_slice %arg9[%dma_start3A_210, %dma_start3A_211] : memref<10240x128xf32, #tpu.memory_space<vmem_shared>> -> memref<10240x128xf32, #tpu.memory_space<vmem_shared>>
          tpu.enqueue_indirect_dma source(%dma_start3A_206 : memref<64x128xf32, #tpu.memory_space<vmem>>) target(%dma_start3A_212 : memref<10240x128xf32, #tpu.memory_space<vmem_shared>>) offsets(%dma_start3A_209 : memref<64xi32, #tpu.memory_space<vmem>>) semaphore(%run_scoped3A_202 : memref<!tpu.dma_semaphore, #tpu.memory_space<semaphore_mem>>) {add = true}
          %dma_wait3A_213 = arith.constant 0 : i32
          %dma_wait3A_214 = arith.constant 0 : i32
          %dma_wait3A_215 = tpu.memref_slice %arg8[%run_scoped3A_200, %dma_wait3A_213, %dma_wait3A_214] : memref<2x64x128xf32, #tpu.memory_space<vmem>> -> memref<1x64x128xf32, #tpu.memory_space<vmem>>
          %dma_wait3A_216 = tpu.memref_squeeze %dma_wait3A_215 : memref<1x64x128xf32, #tpu.memory_space<vmem>> -> memref<64x128xf32, #tpu.memory_space<vmem>>
          %dma_wait3A_217 = arith.constant 0 : i32
          %dma_wait3A_218 = tpu.memref_slice %arg7[%add3A_175, %dma_wait3A_217] : memref<32x64xi32, #tpu.memory_space<vmem>> -> memref<1x64xi32, #tpu.memory_space<vmem>>
          %dma_wait3A_219 = tpu.memref_squeeze %dma_wait3A_218 : memref<1x64xi32, #tpu.memory_space<vmem>> -> memref<64xi32, #tpu.memory_space<vmem>>
          %dma_wait3A_220 = arith.constant 0 : i32
          %dma_wait3A_221 = arith.constant 0 : i32
          %dma_wait3A_222 = tpu.memref_slice %arg9[%dma_wait3A_220, %dma_wait3A_221] : memref<10240x128xf32, #tpu.memory_space<vmem_shared>> -> memref<10240x128xf32, #tpu.memory_space<vmem_shared>>
          tpu.wait_indirect_dma semaphore(%run_scoped3A_202 : memref<!tpu.dma_semaphore, #tpu.memory_space<semaphore_mem>>) src(%dma_wait3A_216 : memref<64x128xf32, #tpu.memory_space<vmem>>) dst(%dma_wait3A_222 : memref<10240x128xf32, #tpu.memory_space<vmem_shared>>)
          tpu.yield
        }) : () -> ()
        %scan3A_201 = arith.constant 0 : i32
        scf.yield %scan3A_201 : i32
      }
      %scan3A_102 = arith.constant 15 : i32
      %dma_start3A_103 = arith.constant 31 : i32
      %dma_start3A_104 = arith.constant 1 : i32
      %dma_start3A_105 = arith.constant 0 : i32
      %dma_start3A_106 = arith.constant 0 : i32
      %dma_start3A_107 = tpu.memref_slice %arg8[%dma_start3A_104, %dma_start3A_105, %dma_start3A_106] : memref<2x64x128xf32, #tpu.memory_space<vmem>> -> memref<1x64x128xf32, #tpu.memory_space<vmem>>
      %dma_start3A_108 = tpu.memref_squeeze %dma_start3A_107 : memref<1x64x128xf32, #tpu.memory_space<vmem>> -> memref<64x128xf32, #tpu.memory_space<vmem>>
      %dma_start3A_109 = arith.constant 0 : i32
      %dma_start3A_110 = tpu.memref_slice %arg6[%dma_start3A_103, %dma_start3A_109] : memref<32x64xi32, #tpu.memory_space<vmem>> -> memref<1x64xi32, #tpu.memory_space<vmem>>
      %dma_start3A_111 = tpu.memref_squeeze %dma_start3A_110 : memref<1x64xi32, #tpu.memory_space<vmem>> -> memref<64xi32, #tpu.memory_space<vmem>>
      %dma_start3A_112 = arith.constant 0 : i32
      %dma_start3A_113 = arith.constant 0 : i32
      %dma_start3A_114 = tpu.memref_slice %arg2[%dma_start3A_112, %dma_start3A_113] : memref<10240x128xf32, #tpu.memory_space<hbm>> -> memref<10240x128xf32, #tpu.memory_space<hbm>>
      tpu.enqueue_indirect_dma source(%dma_start3A_114 : memref<10240x128xf32, #tpu.memory_space<hbm>>) target(%dma_start3A_108 : memref<64x128xf32, #tpu.memory_space<vmem>>) offsets(%dma_start3A_111 : memref<64xi32, #tpu.memory_space<vmem>>) semaphore(%arg11 : memref<!tpu.dma_semaphore, #tpu.memory_space<semaphore_mem>>)
      %dma_wait3A = arith.constant 30 : i32
      %dma_wait3A_115 = arith.constant 0 : i32
      %dma_wait3A_116 = arith.constant 0 : i32
      %dma_wait3A_117 = arith.constant 0 : i32
      %dma_wait3A_118 = tpu.memref_slice %arg8[%dma_wait3A_115, %dma_wait3A_116, %dma_wait3A_117] : memref<2x64x128xf32, #tpu.memory_space<vmem>> -> memref<1x64x128xf32, #tpu.memory_space<vmem>>
      %dma_wait3A_119 = tpu.memref_squeeze %dma_wait3A_118 : memref<1x64x128xf32, #tpu.memory_space<vmem>> -> memref<64x128xf32, #tpu.memory_space<vmem>>
      %dma_wait3A_120 = arith.constant 0 : i32
      %dma_wait3A_121 = tpu.memref_slice %arg6[%dma_wait3A, %dma_wait3A_120] : memref<32x64xi32, #tpu.memory_space<vmem>> -> memref<1x64xi32, #tpu.memory_space<vmem>>
      %dma_wait3A_122 = tpu.memref_squeeze %dma_wait3A_121 : memref<1x64xi32, #tpu.memory_space<vmem>> -> memref<64xi32, #tpu.memory_space<vmem>>
      %dma_wait3A_123 = arith.constant 0 : i32
      %dma_wait3A_124 = arith.constant 0 : i32
      %dma_wait3A_125 = tpu.memref_slice %arg2[%dma_wait3A_123, %dma_wait3A_124] : memref<10240x128xf32, #tpu.memory_space<hbm>> -> memref<10240x128xf32, #tpu.memory_space<hbm>>
      tpu.wait_indirect_dma semaphore(%arg10 : memref<!tpu.dma_semaphore, #tpu.memory_space<semaphore_mem>>) src(%dma_wait3A_125 : memref<10240x128xf32, #tpu.memory_space<hbm>>) dst(%dma_wait3A_119 : memref<64x128xf32, #tpu.memory_space<vmem>>)
      %run_scoped3A_126 = arith.constant 0 : i32
      %run_scoped3A_127 = arith.constant 30 : i32
      "tpu.region"() ({
        %run_scoped3A_143 = tpu.sem_alloc : memref<!tpu.dma_semaphore, #tpu.memory_space<semaphore_mem>>
        %dma_start3A_144 = arith.constant 0 : i32
        %dma_start3A_145 = arith.constant 0 : i32
        %dma_start3A_146 = tpu.memref_slice %arg8[%run_scoped3A_126, %dma_start3A_144, %dma_start3A_145] : memref<2x64x128xf32, #tpu.memory_space<vmem>> -> memref<1x64x128xf32, #tpu.memory_space<vmem>>
        %dma_start3A_147 = tpu.memref_squeeze %dma_start3A_146 : memref<1x64x128xf32, #tpu.memory_space<vmem>> -> memref<64x128xf32, #tpu.memory_space<vmem>>
        %dma_start3A_148 = arith.constant 0 : i32
        %dma_start3A_149 = tpu.memref_slice %arg7[%run_scoped3A_127, %dma_start3A_148] : memref<32x64xi32, #tpu.memory_space<vmem>> -> memref<1x64xi32, #tpu.memory_space<vmem>>
        %dma_start3A_150 = tpu.memref_squeeze %dma_start3A_149 : memref<1x64xi32, #tpu.memory_space<vmem>> -> memref<64xi32, #tpu.memory_space<vmem>>
        %dma_start3A_151 = arith.constant 0 : i32
        %dma_start3A_152 = arith.constant 0 : i32
        %dma_start3A_153 = tpu.memref_slice %arg9[%dma_start3A_151, %dma_start3A_152] : memref<10240x128xf32, #tpu.memory_space<vmem_shared>> -> memref<10240x128xf32, #tpu.memory_space<vmem_shared>>
        tpu.enqueue_indirect_dma source(%dma_start3A_147 : memref<64x128xf32, #tpu.memory_space<vmem>>) target(%dma_start3A_153 : memref<10240x128xf32, #tpu.memory_space<vmem_shared>>) offsets(%dma_start3A_150 : memref<64xi32, #tpu.memory_space<vmem>>) semaphore(%run_scoped3A_143 : memref<!tpu.dma_semaphore, #tpu.memory_space<semaphore_mem>>) {add = true}
        %dma_wait3A_154 = arith.constant 0 : i32
        %dma_wait3A_155 = arith.constant 0 : i32
        %dma_wait3A_156 = tpu.memref_slice %arg8[%run_scoped3A_126, %dma_wait3A_154, %dma_wait3A_155] : memref<2x64x128xf32, #tpu.memory_space<vmem>> -> memref<1x64x128xf32, #tpu.memory_space<vmem>>
        %dma_wait3A_157 = tpu.memref_squeeze %dma_wait3A_156 : memref<1x64x128xf32, #tpu.memory_space<vmem>> -> memref<64x128xf32, #tpu.memory_space<vmem>>
        %dma_wait3A_158 = arith.constant 0 : i32
        %dma_wait3A_159 = tpu.memref_slice %arg7[%run_scoped3A_127, %dma_wait3A_158] : memref<32x64xi32, #tpu.memory_space<vmem>> -> memref<1x64xi32, #tpu.memory_space<vmem>>
        %dma_wait3A_160 = tpu.memref_squeeze %dma_wait3A_159 : memref<1x64xi32, #tpu.memory_space<vmem>> -> memref<64xi32, #tpu.memory_space<vmem>>
        %dma_wait3A_161 = arith.constant 0 : i32
        %dma_wait3A_162 = arith.constant 0 : i32
        %dma_wait3A_163 = tpu.memref_slice %arg9[%dma_wait3A_161, %dma_wait3A_162] : memref<10240x128xf32, #tpu.memory_space<vmem_shared>> -> memref<10240x128xf32, #tpu.memory_space<vmem_shared>>
        tpu.wait_indirect_dma semaphore(%run_scoped3A_143 : memref<!tpu.dma_semaphore, #tpu.memory_space<semaphore_mem>>) src(%dma_wait3A_157 : memref<64x128xf32, #tpu.memory_space<vmem>>) dst(%dma_wait3A_163 : memref<10240x128xf32, #tpu.memory_space<vmem_shared>>)
        tpu.yield
      }) : () -> ()
      %dma_wait3A_128 = arith.constant 31 : i32
      %dma_wait3A_129 = arith.constant 1 : i32
      %dma_wait3A_130 = arith.constant 0 : i32
      %dma_wait3A_131 = arith.constant 0 : i32
      %dma_wait3A_132 = tpu.memref_slice %arg8[%dma_wait3A_129, %dma_wait3A_130, %dma_wait3A_131] : memref<2x64x128xf32, #tpu.memory_space<vmem>> -> memref<1x64x128xf32, #tpu.memory_space<vmem>>
      %dma_wait3A_133 = tpu.memref_squeeze %dma_wait3A_132 : memref<1x64x128xf32, #tpu.memory_space<vmem>> -> memref<64x128xf32, #tpu.memory_space<vmem>>
      %dma_wait3A_134 = arith.constant 0 : i32
      %dma_wait3A_135 = tpu.memref_slice %arg6[%dma_wait3A_128, %dma_wait3A_134] : memref<32x64xi32, #tpu.memory_space<vmem>> -> memref<1x64xi32, #tpu.memory_space<vmem>>
      %dma_wait3A_136 = tpu.memref_squeeze %dma_wait3A_135 : memref<1x64xi32, #tpu.memory_space<vmem>> -> memref<64xi32, #tpu.memory_space<vmem>>
      %dma_wait3A_137 = arith.constant 0 : i32
      %dma_wait3A_138 = arith.constant 0 : i32
      %dma_wait3A_139 = tpu.memref_slice %arg2[%dma_wait3A_137, %dma_wait3A_138] : memref<10240x128xf32, #tpu.memory_space<hbm>> -> memref<10240x128xf32, #tpu.memory_space<hbm>>
      tpu.wait_indirect_dma semaphore(%arg11 : memref<!tpu.dma_semaphore, #tpu.memory_space<semaphore_mem>>) src(%dma_wait3A_139 : memref<10240x128xf32, #tpu.memory_space<hbm>>) dst(%dma_wait3A_133 : memref<64x128xf32, #tpu.memory_space<vmem>>)
      %run_scoped3A_140 = arith.constant 1 : i32
      %run_scoped3A_141 = arith.constant 31 : i32
      "tpu.region"() ({
        %run_scoped3A_143 = tpu.sem_alloc : memref<!tpu.dma_semaphore, #tpu.memory_space<semaphore_mem>>
        %dma_start3A_144 = arith.constant 0 : i32
        %dma_start3A_145 = arith.constant 0 : i32
        %dma_start3A_146 = tpu.memref_slice %arg8[%run_scoped3A_140, %dma_start3A_144, %dma_start3A_145] : memref<2x64x128xf32, #tpu.memory_space<vmem>> -> memref<1x64x128xf32, #tpu.memory_space<vmem>>
        %dma_start3A_147 = tpu.memref_squeeze %dma_start3A_146 : memref<1x64x128xf32, #tpu.memory_space<vmem>> -> memref<64x128xf32, #tpu.memory_space<vmem>>
        %dma_start3A_148 = arith.constant 0 : i32
        %dma_start3A_149 = tpu.memref_slice %arg7[%run_scoped3A_141, %dma_start3A_148] : memref<32x64xi32, #tpu.memory_space<vmem>> -> memref<1x64xi32, #tpu.memory_space<vmem>>
        %dma_start3A_150 = tpu.memref_squeeze %dma_start3A_149 : memref<1x64xi32, #tpu.memory_space<vmem>> -> memref<64xi32, #tpu.memory_space<vmem>>
        %dma_start3A_151 = arith.constant 0 : i32
        %dma_start3A_152 = arith.constant 0 : i32
        %dma_start3A_153 = tpu.memref_slice %arg9[%dma_start3A_151, %dma_start3A_152] : memref<10240x128xf32, #tpu.memory_space<vmem_shared>> -> memref<10240x128xf32, #tpu.memory_space<vmem_shared>>
        tpu.enqueue_indirect_dma source(%dma_start3A_147 : memref<64x128xf32, #tpu.memory_space<vmem>>) target(%dma_start3A_153 : memref<10240x128xf32, #tpu.memory_space<vmem_shared>>) offsets(%dma_start3A_150 : memref<64xi32, #tpu.memory_space<vmem>>) semaphore(%run_scoped3A_143 : memref<!tpu.dma_semaphore, #tpu.memory_space<semaphore_mem>>) {add = true}
        %dma_wait3A_154 = arith.constant 0 : i32
        %dma_wait3A_155 = arith.constant 0 : i32
        %dma_wait3A_156 = tpu.memref_slice %arg8[%run_scoped3A_140, %dma_wait3A_154, %dma_wait3A_155] : memref<2x64x128xf32, #tpu.memory_space<vmem>> -> memref<1x64x128xf32, #tpu.memory_space<vmem>>
        %dma_wait3A_157 = tpu.memref_squeeze %dma_wait3A_156 : memref<1x64x128xf32, #tpu.memory_space<vmem>> -> memref<64x128xf32, #tpu.memory_space<vmem>>
        %dma_wait3A_158 = arith.constant 0 : i32
        %dma_wait3A_159 = tpu.memref_slice %arg7[%run_scoped3A_141, %dma_wait3A_158] : memref<32x64xi32, #tpu.memory_space<vmem>> -> memref<1x64xi32, #tpu.memory_space<vmem>>
        %dma_wait3A_160 = tpu.memref_squeeze %dma_wait3A_159 : memref<1x64xi32, #tpu.memory_space<vmem>> -> memref<64xi32, #tpu.memory_space<vmem>>
        %dma_wait3A_161 = arith.constant 0 : i32
        %dma_wait3A_162 = arith.constant 0 : i32
        %dma_wait3A_163 = tpu.memref_slice %arg9[%dma_wait3A_161, %dma_wait3A_162] : memref<10240x128xf32, #tpu.memory_space<vmem_shared>> -> memref<10240x128xf32, #tpu.memory_space<vmem_shared>>
        tpu.wait_indirect_dma semaphore(%run_scoped3A_143 : memref<!tpu.dma_semaphore, #tpu.memory_space<semaphore_mem>>) src(%dma_wait3A_157 : memref<64x128xf32, #tpu.memory_space<vmem>>) dst(%dma_wait3A_163 : memref<10240x128xf32, #tpu.memory_space<vmem_shared>>)
        tpu.yield
      }) : () -> ()
      %while3A_142 = arith.constant 0 : i32
      scf.yield %while3A_142 : i32
    }
    %while3A_73 = arith.constant 1 : i32
    %while3A_74 = scf.for %while3A_80 = %while3A_70 to %while3A_66 step %while3A_73 iter_args(%while3A_81 = %while3A_72) -> (i32)  : i32 {
      %mul3A_82 = arith.constant 32 : i32
      %mul3A_83 = arith.muli %while3A_80, %mul3A_82 : i32
      %add3A_84 = arith.addi %select_n3A, %mul3A_83 : i32
      "tpu.region"() ({
        %run_scoped3A_143 = tpu.sem_alloc : memref<!tpu.dma_semaphore, #tpu.memory_space<semaphore_mem>>
        %dma_start3A_144 = arith.constant 0 : i32
        %dma_start3A_145 = tpu.memref_slice %arg3[%add3A_84, %dma_start3A_144] : memref<5120x64xi32, #tpu.memory_space<hbm>> -> memref<32x64xi32, #tpu.memory_space<hbm>>
        %dma_start3A_146 = arith.constant 0 : i32
        %dma_start3A_147 = tpu.memref_slice %arg3[%add3A_84, %dma_start3A_146] : memref<5120x64xi32, #tpu.memory_space<hbm>> -> memref<32x64xi32, #tpu.memory_space<hbm>>
        tpu.enqueue_dma source(%dma_start3A_147 : memref<32x64xi32, #tpu.memory_space<hbm>>) target(%arg6 : memref<32x64xi32, #tpu.memory_space<vmem>>) target_semaphore(%run_scoped3A_143 : memref<!tpu.dma_semaphore, #tpu.memory_space<semaphore_mem>>)
        %dma_wait3A_148 = arith.constant 0 : i32
        %dma_wait3A_149 = tpu.memref_slice %arg3[%add3A_84, %dma_wait3A_148] : memref<5120x64xi32, #tpu.memory_space<hbm>> -> memref<32x64xi32, #tpu.memory_space<hbm>>
        %dma_wait3A_150 = arith.constant 0 : i32
        %dma_wait3A_151 = tpu.memref_slice %arg3[%add3A_84, %dma_wait3A_150] : memref<5120x64xi32, #tpu.memory_space<hbm>> -> memref<32x64xi32, #tpu.memory_space<hbm>>
        tpu.wait_dma2 semaphore(%run_scoped3A_143 : memref<!tpu.dma_semaphore, #tpu.memory_space<semaphore_mem>>) src(%dma_wait3A_151 : memref<32x64xi32, #tpu.memory_space<hbm>>) dst(%arg6 : memref<32x64xi32, #tpu.memory_space<vmem>>)
        tpu.yield
      }) : () -> ()
      "tpu.region"() ({
        %run_scoped3A_143 = tpu.sem_alloc : memref<!tpu.dma_semaphore, #tpu.memory_space<semaphore_mem>>
        %dma_start3A_144 = arith.constant 0 : i32
        %dma_start3A_145 = tpu.memref_slice %arg4[%add3A_84, %dma_start3A_144] : memref<5120x64xi32, #tpu.memory_space<hbm>> -> memref<32x64xi32, #tpu.memory_space<hbm>>
        %dma_start3A_146 = arith.constant 0 : i32
        %dma_start3A_147 = tpu.memref_slice %arg4[%add3A_84, %dma_start3A_146] : memref<5120x64xi32, #tpu.memory_space<hbm>> -> memref<32x64xi32, #tpu.memory_space<hbm>>
        tpu.enqueue_dma source(%dma_start3A_147 : memref<32x64xi32, #tpu.memory_space<hbm>>) target(%arg7 : memref<32x64xi32, #tpu.memory_space<vmem>>) target_semaphore(%run_scoped3A_143 : memref<!tpu.dma_semaphore, #tpu.memory_space<semaphore_mem>>)
        %dma_wait3A_148 = arith.constant 0 : i32
        %dma_wait3A_149 = tpu.memref_slice %arg4[%add3A_84, %dma_wait3A_148] : memref<5120x64xi32, #tpu.memory_space<hbm>> -> memref<32x64xi32, #tpu.memory_space<hbm>>
        %dma_wait3A_150 = arith.constant 0 : i32
        %dma_wait3A_151 = tpu.memref_slice %arg4[%add3A_84, %dma_wait3A_150] : memref<5120x64xi32, #tpu.memory_space<hbm>> -> memref<32x64xi32, #tpu.memory_space<hbm>>
        tpu.wait_dma2 semaphore(%run_scoped3A_143 : memref<!tpu.dma_semaphore, #tpu.memory_space<semaphore_mem>>) src(%dma_wait3A_151 : memref<32x64xi32, #tpu.memory_space<hbm>>) dst(%arg7 : memref<32x64xi32, #tpu.memory_space<vmem>>)
        tpu.yield
      }) : () -> ()
      %dma_start3A = arith.constant 0 : i32
      %dma_start3A_85 = arith.constant 0 : i32
      %dma_start3A_86 = arith.constant 0 : i32
      %dma_start3A_87 = arith.constant 0 : i32
      %dma_start3A_88 = tpu.memref_slice %arg8[%dma_start3A_85, %dma_start3A_86, %dma_start3A_87] : memref<2x64x128xf32, #tpu.memory_space<vmem>> -> memref<1x64x128xf32, #tpu.memory_space<vmem>>
      %dma_start3A_89 = tpu.memref_squeeze %dma_start3A_88 : memref<1x64x128xf32, #tpu.memory_space<vmem>> -> memref<64x128xf32, #tpu.memory_space<vmem>>
      %dma_start3A_90 = arith.constant 0 : i32
      %dma_start3A_91 = tpu.memref_slice %arg6[%dma_start3A, %dma_start3A_90] : memref<32x64xi32, #tpu.memory_space<vmem>> -> memref<1x64xi32, #tpu.memory_space<vmem>>
      %dma_start3A_92 = tpu.memref_squeeze %dma_start3A_91 : memref<1x64xi32, #tpu.memory_space<vmem>> -> memref<64xi32, #tpu.memory_space<vmem>>
      %dma_start3A_93 = arith.constant 0 : i32
      %dma_start3A_94 = arith.constant 0 : i32
      %dma_start3A_95 = tpu.memref_slice %arg2[%dma_start3A_93, %dma_start3A_94] : memref<10240x128xf32, #tpu.memory_space<hbm>> -> memref<10240x128xf32, #tpu.memory_space<hbm>>
      tpu.enqueue_indirect_dma source(%dma_start3A_95 : memref<10240x128xf32, #tpu.memory_space<hbm>>) target(%dma_start3A_89 : memref<64x128xf32, #tpu.memory_space<vmem>>) offsets(%dma_start3A_92 : memref<64xi32, #tpu.memory_space<vmem>>) semaphore(%arg10 : memref<!tpu.dma_semaphore, #tpu.memory_space<semaphore_mem>>)
      %scan3A_96 = arith.constant 0 : i32
      %scan3A_97 = arith.constant 0 : i32
      %scan3A_98 = arith.constant 15 : i32
      %scan3A_99 = arith.addi %scan3A_97, %scan3A_98 : i32
      %scan3A_100 = arith.constant 1 : i32
      %scan3A_101 = scf.for %scan3A_143 = %scan3A_97 to %scan3A_99 step %scan3A_100 iter_args(%scan3A_144 = %scan3A_96) -> (i32)  : i32 {
        %mul3A_145 = arith.constant 2 : i32
        %mul3A_146 = arith.muli %scan3A_143, %mul3A_145 : i32
        %add3A_147 = arith.constant 1 : i32
        %add3A_148 = arith.addi %mul3A_146, %add3A_147 : i32
        %dma_start3A_149 = arith.constant 1 : i32
        %dma_start3A_150 = arith.constant 0 : i32
        %dma_start3A_151 = arith.constant 0 : i32
        %dma_start3A_152 = tpu.memref_slice %arg8[%dma_start3A_149, %dma_start3A_150, %dma_start3A_151] : memref<2x64x128xf32, #tpu.memory_space<vmem>> -> memref<1x64x128xf32, #tpu.memory_space<vmem>>
        %dma_start3A_153 = tpu.memref_squeeze %dma_start3A_152 : memref<1x64x128xf32, #tpu.memory_space<vmem>> -> memref<64x128xf32, #tpu.memory_space<vmem>>
        %dma_start3A_154 = arith.constant 0 : i32
        %dma_start3A_155 = tpu.memref_slice %arg6[%add3A_148, %dma_start3A_154] : memref<32x64xi32, #tpu.memory_space<vmem>> -> memref<1x64xi32, #tpu.memory_space<vmem>>
        %dma_start3A_156 = tpu.memref_squeeze %dma_start3A_155 : memref<1x64xi32, #tpu.memory_space<vmem>> -> memref<64xi32, #tpu.memory_space<vmem>>
        %dma_start3A_157 = arith.constant 0 : i32
        %dma_start3A_158 = arith.constant 0 : i32
        %dma_start3A_159 = tpu.memref_slice %arg2[%dma_start3A_157, %dma_start3A_158] : memref<10240x128xf32, #tpu.memory_space<hbm>> -> memref<10240x128xf32, #tpu.memory_space<hbm>>
        tpu.enqueue_indirect_dma source(%dma_start3A_159 : memref<10240x128xf32, #tpu.memory_space<hbm>>) target(%dma_start3A_153 : memref<64x128xf32, #tpu.memory_space<vmem>>) offsets(%dma_start3A_156 : memref<64xi32, #tpu.memory_space<vmem>>) semaphore(%arg11 : memref<!tpu.dma_semaphore, #tpu.memory_space<semaphore_mem>>)
        %dma_wait3A_160 = arith.constant 0 : i32
        %dma_wait3A_161 = arith.constant 0 : i32
        %dma_wait3A_162 = arith.constant 0 : i32
        %dma_wait3A_163 = tpu.memref_slice %arg8[%dma_wait3A_160, %dma_wait3A_161, %dma_wait3A_162] : memref<2x64x128xf32, #tpu.memory_space<vmem>> -> memref<1x64x128xf32, #tpu.memory_space<vmem>>
        %dma_wait3A_164 = tpu.memref_squeeze %dma_wait3A_163 : memref<1x64x128xf32, #tpu.memory_space<vmem>> -> memref<64x128xf32, #tpu.memory_space<vmem>>
        %dma_wait3A_165 = arith.constant 0 : i32
        %dma_wait3A_166 = tpu.memref_slice %arg6[%mul3A_146, %dma_wait3A_165] : memref<32x64xi32, #tpu.memory_space<vmem>> -> memref<1x64xi32, #tpu.memory_space<vmem>>
        %dma_wait3A_167 = tpu.memref_squeeze %dma_wait3A_166 : memref<1x64xi32, #tpu.memory_space<vmem>> -> memref<64xi32, #tpu.memory_space<vmem>>
        %dma_wait3A_168 = arith.constant 0 : i32
        %dma_wait3A_169 = arith.constant 0 : i32
        %dma_wait3A_170 = tpu.memref_slice %arg2[%dma_wait3A_168, %dma_wait3A_169] : memref<10240x128xf32, #tpu.memory_space<hbm>> -> memref<10240x128xf32, #tpu.memory_space<hbm>>
        tpu.wait_indirect_dma semaphore(%arg10 : memref<!tpu.dma_semaphore, #tpu.memory_space<semaphore_mem>>) src(%dma_wait3A_170 : memref<10240x128xf32, #tpu.memory_space<hbm>>) dst(%dma_wait3A_164 : memref<64x128xf32, #tpu.memory_space<vmem>>)
        %run_scoped3A_171 = arith.constant 0 : i32
        "tpu.region"() ({
          %run_scoped3A_202 = tpu.sem_alloc : memref<!tpu.dma_semaphore, #tpu.memory_space<semaphore_mem>>
          %dma_start3A_203 = arith.constant 0 : i32
          %dma_start3A_204 = arith.constant 0 : i32
          %dma_start3A_205 = tpu.memref_slice %arg8[%run_scoped3A_171, %dma_start3A_203, %dma_start3A_204] : memref<2x64x128xf32, #tpu.memory_space<vmem>> -> memref<1x64x128xf32, #tpu.memory_space<vmem>>
          %dma_start3A_206 = tpu.memref_squeeze %dma_start3A_205 : memref<1x64x128xf32, #tpu.memory_space<vmem>> -> memref<64x128xf32, #tpu.memory_space<vmem>>
          %dma_start3A_207 = arith.constant 0 : i32
          %dma_start3A_208 = tpu.memref_slice %arg7[%mul3A_146, %dma_start3A_207] : memref<32x64xi32, #tpu.memory_space<vmem>> -> memref<1x64xi32, #tpu.memory_space<vmem>>
          %dma_start3A_209 = tpu.memref_squeeze %dma_start3A_208 : memref<1x64xi32, #tpu.memory_space<vmem>> -> memref<64xi32, #tpu.memory_space<vmem>>
          %dma_start3A_210 = arith.constant 0 : i32
          %dma_start3A_211 = arith.constant 0 : i32
          %dma_start3A_212 = tpu.memref_slice %arg9[%dma_start3A_210, %dma_start3A_211] : memref<10240x128xf32, #tpu.memory_space<vmem_shared>> -> memref<10240x128xf32, #tpu.memory_space<vmem_shared>>
          tpu.enqueue_indirect_dma source(%dma_start3A_206 : memref<64x128xf32, #tpu.memory_space<vmem>>) target(%dma_start3A_212 : memref<10240x128xf32, #tpu.memory_space<vmem_shared>>) offsets(%dma_start3A_209 : memref<64xi32, #tpu.memory_space<vmem>>) semaphore(%run_scoped3A_202 : memref<!tpu.dma_semaphore, #tpu.memory_space<semaphore_mem>>) {add = true}
          %dma_wait3A_213 = arith.constant 0 : i32
          %dma_wait3A_214 = arith.constant 0 : i32
          %dma_wait3A_215 = tpu.memref_slice %arg8[%run_scoped3A_171, %dma_wait3A_213, %dma_wait3A_214] : memref<2x64x128xf32, #tpu.memory_space<vmem>> -> memref<1x64x128xf32, #tpu.memory_space<vmem>>
          %dma_wait3A_216 = tpu.memref_squeeze %dma_wait3A_215 : memref<1x64x128xf32, #tpu.memory_space<vmem>> -> memref<64x128xf32, #tpu.memory_space<vmem>>
          %dma_wait3A_217 = arith.constant 0 : i32
          %dma_wait3A_218 = tpu.memref_slice %arg7[%mul3A_146, %dma_wait3A_217] : memref<32x64xi32, #tpu.memory_space<vmem>> -> memref<1x64xi32, #tpu.memory_space<vmem>>
          %dma_wait3A_219 = tpu.memref_squeeze %dma_wait3A_218 : memref<1x64xi32, #tpu.memory_space<vmem>> -> memref<64xi32, #tpu.memory_space<vmem>>
          %dma_wait3A_220 = arith.constant 0 : i32
          %dma_wait3A_221 = arith.constant 0 : i32
          %dma_wait3A_222 = tpu.memref_slice %arg9[%dma_wait3A_220, %dma_wait3A_221] : memref<10240x128xf32, #tpu.memory_space<vmem_shared>> -> memref<10240x128xf32, #tpu.memory_space<vmem_shared>>
          tpu.wait_indirect_dma semaphore(%run_scoped3A_202 : memref<!tpu.dma_semaphore, #tpu.memory_space<semaphore_mem>>) src(%dma_wait3A_216 : memref<64x128xf32, #tpu.memory_space<vmem>>) dst(%dma_wait3A_222 : memref<10240x128xf32, #tpu.memory_space<vmem_shared>>)
          tpu.yield
        }) : () -> ()
        %mul3A_172 = arith.constant 2 : i32
        %mul3A_173 = arith.muli %scan3A_143, %mul3A_172 : i32
        %add3A_174 = arith.constant 1 : i32
        %add3A_175 = arith.addi %mul3A_173, %add3A_174 : i32
        %add3A_176 = arith.constant 1 : i32
        %add3A_177 = arith.addi %add3A_175, %add3A_176 : i32
        %dma_start3A_178 = arith.constant 0 : i32
        %dma_start3A_179 = arith.constant 0 : i32
        %dma_start3A_180 = arith.constant 0 : i32
        %dma_start3A_181 = tpu.memref_slice %arg8[%dma_start3A_178, %dma_start3A_179, %dma_start3A_180] : memref<2x64x128xf32, #tpu.memory_space<vmem>> -> memref<1x64x128xf32, #tpu.memory_space<vmem>>
        %dma_start3A_182 = tpu.memref_squeeze %dma_start3A_181 : memref<1x64x128xf32, #tpu.memory_space<vmem>> -> memref<64x128xf32, #tpu.memory_space<vmem>>
        %dma_start3A_183 = arith.constant 0 : i32
        %dma_start3A_184 = tpu.memref_slice %arg6[%add3A_177, %dma_start3A_183] : memref<32x64xi32, #tpu.memory_space<vmem>> -> memref<1x64xi32, #tpu.memory_space<vmem>>
        %dma_start3A_185 = tpu.memref_squeeze %dma_start3A_184 : memref<1x64xi32, #tpu.memory_space<vmem>> -> memref<64xi32, #tpu.memory_space<vmem>>
        %dma_start3A_186 = arith.constant 0 : i32
        %dma_start3A_187 = arith.constant 0 : i32
        %dma_start3A_188 = tpu.memref_slice %arg2[%dma_start3A_186, %dma_start3A_187] : memref<10240x128xf32, #tpu.memory_space<hbm>> -> memref<10240x128xf32, #tpu.memory_space<hbm>>
        tpu.enqueue_indirect_dma source(%dma_start3A_188 : memref<10240x128xf32, #tpu.memory_space<hbm>>) target(%dma_start3A_182 : memref<64x128xf32, #tpu.memory_space<vmem>>) offsets(%dma_start3A_185 : memref<64xi32, #tpu.memory_space<vmem>>) semaphore(%arg10 : memref<!tpu.dma_semaphore, #tpu.memory_space<semaphore_mem>>)
        %dma_wait3A_189 = arith.constant 1 : i32
        %dma_wait3A_190 = arith.constant 0 : i32
        %dma_wait3A_191 = arith.constant 0 : i32
        %dma_wait3A_192 = tpu.memref_slice %arg8[%dma_wait3A_189, %dma_wait3A_190, %dma_wait3A_191] : memref<2x64x128xf32, #tpu.memory_space<vmem>> -> memref<1x64x128xf32, #tpu.memory_space<vmem>>
        %dma_wait3A_193 = tpu.memref_squeeze %dma_wait3A_192 : memref<1x64x128xf32, #tpu.memory_space<vmem>> -> memref<64x128xf32, #tpu.memory_space<vmem>>
        %dma_wait3A_194 = arith.constant 0 : i32
        %dma_wait3A_195 = tpu.memref_slice %arg6[%add3A_175, %dma_wait3A_194] : memref<32x64xi32, #tpu.memory_space<vmem>> -> memref<1x64xi32, #tpu.memory_space<vmem>>
        %dma_wait3A_196 = tpu.memref_squeeze %dma_wait3A_195 : memref<1x64xi32, #tpu.memory_space<vmem>> -> memref<64xi32, #tpu.memory_space<vmem>>
        %dma_wait3A_197 = arith.constant 0 : i32
        %dma_wait3A_198 = arith.constant 0 : i32
        %dma_wait3A_199 = tpu.memref_slice %arg2[%dma_wait3A_197, %dma_wait3A_198] : memref<10240x128xf32, #tpu.memory_space<hbm>> -> memref<10240x128xf32, #tpu.memory_space<hbm>>
        tpu.wait_indirect_dma semaphore(%arg11 : memref<!tpu.dma_semaphore, #tpu.memory_space<semaphore_mem>>) src(%dma_wait3A_199 : memref<10240x128xf32, #tpu.memory_space<hbm>>) dst(%dma_wait3A_193 : memref<64x128xf32, #tpu.memory_space<vmem>>)
        %run_scoped3A_200 = arith.constant 1 : i32
        "tpu.region"() ({
          %run_scoped3A_202 = tpu.sem_alloc : memref<!tpu.dma_semaphore, #tpu.memory_space<semaphore_mem>>
          %dma_start3A_203 = arith.constant 0 : i32
          %dma_start3A_204 = arith.constant 0 : i32
          %dma_start3A_205 = tpu.memref_slice %arg8[%run_scoped3A_200, %dma_start3A_203, %dma_start3A_204] : memref<2x64x128xf32, #tpu.memory_space<vmem>> -> memref<1x64x128xf32, #tpu.memory_space<vmem>>
          %dma_start3A_206 = tpu.memref_squeeze %dma_start3A_205 : memref<1x64x128xf32, #tpu.memory_space<vmem>> -> memref<64x128xf32, #tpu.memory_space<vmem>>
          %dma_start3A_207 = arith.constant 0 : i32
          %dma_start3A_208 = tpu.memref_slice %arg7[%add3A_175, %dma_start3A_207] : memref<32x64xi32, #tpu.memory_space<vmem>> -> memref<1x64xi32, #tpu.memory_space<vmem>>
          %dma_start3A_209 = tpu.memref_squeeze %dma_start3A_208 : memref<1x64xi32, #tpu.memory_space<vmem>> -> memref<64xi32, #tpu.memory_space<vmem>>
          %dma_start3A_210 = arith.constant 0 : i32
          %dma_start3A_211 = arith.constant 0 : i32
          %dma_start3A_212 = tpu.memref_slice %arg9[%dma_start3A_210, %dma_start3A_211] : memref<10240x128xf32, #tpu.memory_space<vmem_shared>> -> memref<10240x128xf32, #tpu.memory_space<vmem_shared>>
          tpu.enqueue_indirect_dma source(%dma_start3A_206 : memref<64x128xf32, #tpu.memory_space<vmem>>) target(%dma_start3A_212 : memref<10240x128xf32, #tpu.memory_space<vmem_shared>>) offsets(%dma_start3A_209 : memref<64xi32, #tpu.memory_space<vmem>>) semaphore(%run_scoped3A_202 : memref<!tpu.dma_semaphore, #tpu.memory_space<semaphore_mem>>) {add = true}
          %dma_wait3A_213 = arith.constant 0 : i32
          %dma_wait3A_214 = arith.constant 0 : i32
          %dma_wait3A_215 = tpu.memref_slice %arg8[%run_scoped3A_200, %dma_wait3A_213, %dma_wait3A_214] : memref<2x64x128xf32, #tpu.memory_space<vmem>> -> memref<1x64x128xf32, #tpu.memory_space<vmem>>
          %dma_wait3A_216 = tpu.memref_squeeze %dma_wait3A_215 : memref<1x64x128xf32, #tpu.memory_space<vmem>> -> memref<64x128xf32, #tpu.memory_space<vmem>>
          %dma_wait3A_217 = arith.constant 0 : i32
          %dma_wait3A_218 = tpu.memref_slice %arg7[%add3A_175, %dma_wait3A_217] : memref<32x64xi32, #tpu.memory_space<vmem>> -> memref<1x64xi32, #tpu.memory_space<vmem>>
          %dma_wait3A_219 = tpu.memref_squeeze %dma_wait3A_218 : memref<1x64xi32, #tpu.memory_space<vmem>> -> memref<64xi32, #tpu.memory_space<vmem>>
          %dma_wait3A_220 = arith.constant 0 : i32
          %dma_wait3A_221 = arith.constant 0 : i32
          %dma_wait3A_222 = tpu.memref_slice %arg9[%dma_wait3A_220, %dma_wait3A_221] : memref<10240x128xf32, #tpu.memory_space<vmem_shared>> -> memref<10240x128xf32, #tpu.memory_space<vmem_shared>>
          tpu.wait_indirect_dma semaphore(%run_scoped3A_202 : memref<!tpu.dma_semaphore, #tpu.memory_space<semaphore_mem>>) src(%dma_wait3A_216 : memref<64x128xf32, #tpu.memory_space<vmem>>) dst(%dma_wait3A_222 : memref<10240x128xf32, #tpu.memory_space<vmem_shared>>)
          tpu.yield
        }) : () -> ()
        %scan3A_201 = arith.constant 0 : i32
        scf.yield %scan3A_201 : i32
      }
      %scan3A_102 = arith.constant 15 : i32
      %dma_start3A_103 = arith.constant 31 : i32
      %dma_start3A_104 = arith.constant 1 : i32
      %dma_start3A_105 = arith.constant 0 : i32
      %dma_start3A_106 = arith.constant 0 : i32
      %dma_start3A_107 = tpu.memref_slice %arg8[%dma_start3A_104, %dma_start3A_105, %dma_start3A_106] : memref<2x64x128xf32, #tpu.memory_space<vmem>> -> memref<1x64x128xf32, #tpu.memory_space<vmem>>
      %dma_start3A_108 = tpu.memref_squeeze %dma_start3A_107 : memref<1x64x128xf32, #tpu.memory_space<vmem>> -> memref<64x128xf32, #tpu.memory_space<vmem>>
      %dma_start3A_109 = arith.constant 0 : i32
      %dma_start3A_110 = tpu.memref_slice %arg6[%dma_start3A_103, %dma_start3A_109] : memref<32x64xi32, #tpu.memory_space<vmem>> -> memref<1x64xi32, #tpu.memory_space<vmem>>
      %dma_start3A_111 = tpu.memref_squeeze %dma_start3A_110 : memref<1x64xi32, #tpu.memory_space<vmem>> -> memref<64xi32, #tpu.memory_space<vmem>>
      %dma_start3A_112 = arith.constant 0 : i32
      %dma_start3A_113 = arith.constant 0 : i32
      %dma_start3A_114 = tpu.memref_slice %arg2[%dma_start3A_112, %dma_start3A_113] : memref<10240x128xf32, #tpu.memory_space<hbm>> -> memref<10240x128xf32, #tpu.memory_space<hbm>>
      tpu.enqueue_indirect_dma source(%dma_start3A_114 : memref<10240x128xf32, #tpu.memory_space<hbm>>) target(%dma_start3A_108 : memref<64x128xf32, #tpu.memory_space<vmem>>) offsets(%dma_start3A_111 : memref<64xi32, #tpu.memory_space<vmem>>) semaphore(%arg11 : memref<!tpu.dma_semaphore, #tpu.memory_space<semaphore_mem>>)
      %dma_wait3A = arith.constant 30 : i32
      %dma_wait3A_115 = arith.constant 0 : i32
      %dma_wait3A_116 = arith.constant 0 : i32
      %dma_wait3A_117 = arith.constant 0 : i32
      %dma_wait3A_118 = tpu.memref_slice %arg8[%dma_wait3A_115, %dma_wait3A_116, %dma_wait3A_117] : memref<2x64x128xf32, #tpu.memory_space<vmem>> -> memref<1x64x128xf32, #tpu.memory_space<vmem>>
      %dma_wait3A_119 = tpu.memref_squeeze %dma_wait3A_118 : memref<1x64x128xf32, #tpu.memory_space<vmem>> -> memref<64x128xf32, #tpu.memory_space<vmem>>
      %dma_wait3A_120 = arith.constant 0 : i32
      %dma_wait3A_121 = tpu.memref_slice %arg6[%dma_wait3A, %dma_wait3A_120] : memref<32x64xi32, #tpu.memory_space<vmem>> -> memref<1x64xi32, #tpu.memory_space<vmem>>
      %dma_wait3A_122 = tpu.memref_squeeze %dma_wait3A_121 : memref<1x64xi32, #tpu.memory_space<vmem>> -> memref<64xi32, #tpu.memory_space<vmem>>
      %dma_wait3A_123 = arith.constant 0 : i32
      %dma_wait3A_124 = arith.constant 0 : i32
      %dma_wait3A_125 = tpu.memref_slice %arg2[%dma_wait3A_123, %dma_wait3A_124] : memref<10240x128xf32, #tpu.memory_space<hbm>> -> memref<10240x128xf32, #tpu.memory_space<hbm>>
      tpu.wait_indirect_dma semaphore(%arg10 : memref<!tpu.dma_semaphore, #tpu.memory_space<semaphore_mem>>) src(%dma_wait3A_125 : memref<10240x128xf32, #tpu.memory_space<hbm>>) dst(%dma_wait3A_119 : memref<64x128xf32, #tpu.memory_space<vmem>>)
      %run_scoped3A_126 = arith.constant 0 : i32
      %run_scoped3A_127 = arith.constant 30 : i32
      "tpu.region"() ({
        %run_scoped3A_143 = tpu.sem_alloc : memref<!tpu.dma_semaphore, #tpu.memory_space<semaphore_mem>>
        %dma_start3A_144 = arith.constant 0 : i32
        %dma_start3A_145 = arith.constant 0 : i32
        %dma_start3A_146 = tpu.memref_slice %arg8[%run_scoped3A_126, %dma_start3A_144, %dma_start3A_145] : memref<2x64x128xf32, #tpu.memory_space<vmem>> -> memref<1x64x128xf32, #tpu.memory_space<vmem>>
        %dma_start3A_147 = tpu.memref_squeeze %dma_start3A_146 : memref<1x64x128xf32, #tpu.memory_space<vmem>> -> memref<64x128xf32, #tpu.memory_space<vmem>>
        %dma_start3A_148 = arith.constant 0 : i32
        %dma_start3A_149 = tpu.memref_slice %arg7[%run_scoped3A_127, %dma_start3A_148] : memref<32x64xi32, #tpu.memory_space<vmem>> -> memref<1x64xi32, #tpu.memory_space<vmem>>
        %dma_start3A_150 = tpu.memref_squeeze %dma_start3A_149 : memref<1x64xi32, #tpu.memory_space<vmem>> -> memref<64xi32, #tpu.memory_space<vmem>>
        %dma_start3A_151 = arith.constant 0 : i32
        %dma_start3A_152 = arith.constant 0 : i32
        %dma_start3A_153 = tpu.memref_slice %arg9[%dma_start3A_151, %dma_start3A_152] : memref<10240x128xf32, #tpu.memory_space<vmem_shared>> -> memref<10240x128xf32, #tpu.memory_space<vmem_shared>>
        tpu.enqueue_indirect_dma source(%dma_start3A_147 : memref<64x128xf32, #tpu.memory_space<vmem>>) target(%dma_start3A_153 : memref<10240x128xf32, #tpu.memory_space<vmem_shared>>) offsets(%dma_start3A_150 : memref<64xi32, #tpu.memory_space<vmem>>) semaphore(%run_scoped3A_143 : memref<!tpu.dma_semaphore, #tpu.memory_space<semaphore_mem>>) {add = true}
        %dma_wait3A_154 = arith.constant 0 : i32
        %dma_wait3A_155 = arith.constant 0 : i32
        %dma_wait3A_156 = tpu.memref_slice %arg8[%run_scoped3A_126, %dma_wait3A_154, %dma_wait3A_155] : memref<2x64x128xf32, #tpu.memory_space<vmem>> -> memref<1x64x128xf32, #tpu.memory_space<vmem>>
        %dma_wait3A_157 = tpu.memref_squeeze %dma_wait3A_156 : memref<1x64x128xf32, #tpu.memory_space<vmem>> -> memref<64x128xf32, #tpu.memory_space<vmem>>
        %dma_wait3A_158 = arith.constant 0 : i32
        %dma_wait3A_159 = tpu.memref_slice %arg7[%run_scoped3A_127, %dma_wait3A_158] : memref<32x64xi32, #tpu.memory_space<vmem>> -> memref<1x64xi32, #tpu.memory_space<vmem>>
        %dma_wait3A_160 = tpu.memref_squeeze %dma_wait3A_159 : memref<1x64xi32, #tpu.memory_space<vmem>> -> memref<64xi32, #tpu.memory_space<vmem>>
        %dma_wait3A_161 = arith.constant 0 : i32
        %dma_wait3A_162 = arith.constant 0 : i32
        %dma_wait3A_163 = tpu.memref_slice %arg9[%dma_wait3A_161, %dma_wait3A_162] : memref<10240x128xf32, #tpu.memory_space<vmem_shared>> -> memref<10240x128xf32, #tpu.memory_space<vmem_shared>>
        tpu.wait_indirect_dma semaphore(%run_scoped3A_143 : memref<!tpu.dma_semaphore, #tpu.memory_space<semaphore_mem>>) src(%dma_wait3A_157 : memref<64x128xf32, #tpu.memory_space<vmem>>) dst(%dma_wait3A_163 : memref<10240x128xf32, #tpu.memory_space<vmem_shared>>)
        tpu.yield
      }) : () -> ()
      %dma_wait3A_128 = arith.constant 31 : i32
      %dma_wait3A_129 = arith.constant 1 : i32
      %dma_wait3A_130 = arith.constant 0 : i32
      %dma_wait3A_131 = arith.constant 0 : i32
      %dma_wait3A_132 = tpu.memref_slice %arg8[%dma_wait3A_129, %dma_wait3A_130, %dma_wait3A_131] : memref<2x64x128xf32, #tpu.memory_space<vmem>> -> memref<1x64x128xf32, #tpu.memory_space<vmem>>
      %dma_wait3A_133 = tpu.memref_squeeze %dma_wait3A_132 : memref<1x64x128xf32, #tpu.memory_space<vmem>> -> memref<64x128xf32, #tpu.memory_space<vmem>>
      %dma_wait3A_134 = arith.constant 0 : i32
      %dma_wait3A_135 = tpu.memref_slice %arg6[%dma_wait3A_128, %dma_wait3A_134] : memref<32x64xi32, #tpu.memory_space<vmem>> -> memref<1x64xi32, #tpu.memory_space<vmem>>
      %dma_wait3A_136 = tpu.memref_squeeze %dma_wait3A_135 : memref<1x64xi32, #tpu.memory_space<vmem>> -> memref<64xi32, #tpu.memory_space<vmem>>
      %dma_wait3A_137 = arith.constant 0 : i32
      %dma_wait3A_138 = arith.constant 0 : i32
      %dma_wait3A_139 = tpu.memref_slice %arg2[%dma_wait3A_137, %dma_wait3A_138] : memref<10240x128xf32, #tpu.memory_space<hbm>> -> memref<10240x128xf32, #tpu.memory_space<hbm>>
      tpu.wait_indirect_dma semaphore(%arg11 : memref<!tpu.dma_semaphore, #tpu.memory_space<semaphore_mem>>) src(%dma_wait3A_139 : memref<10240x128xf32, #tpu.memory_space<hbm>>) dst(%dma_wait3A_133 : memref<64x128xf32, #tpu.memory_space<vmem>>)
      %run_scoped3A_140 = arith.constant 1 : i32
      %run_scoped3A_141 = arith.constant 31 : i32
      "tpu.region"() ({
        %run_scoped3A_143 = tpu.sem_alloc : memref<!tpu.dma_semaphore, #tpu.memory_space<semaphore_mem>>
        %dma_start3A_144 = arith.constant 0 : i32
        %dma_start3A_145 = arith.constant 0 : i32
        %dma_start3A_146 = tpu.memref_slice %arg8[%run_scoped3A_140, %dma_start3A_144, %dma_start3A_145] : memref<2x64x128xf32, #tpu.memory_space<vmem>> -> memref<1x64x128xf32, #tpu.memory_space<vmem>>
        %dma_start3A_147 = tpu.memref_squeeze %dma_start3A_146 : memref<1x64x128xf32, #tpu.memory_space<vmem>> -> memref<64x128xf32, #tpu.memory_space<vmem>>
        %dma_start3A_148 = arith.constant 0 : i32
        %dma_start3A_149 = tpu.memref_slice %arg7[%run_scoped3A_141, %dma_start3A_148] : memref<32x64xi32, #tpu.memory_space<vmem>> -> memref<1x64xi32, #tpu.memory_space<vmem>>
        %dma_start3A_150 = tpu.memref_squeeze %dma_start3A_149 : memref<1x64xi32, #tpu.memory_space<vmem>> -> memref<64xi32, #tpu.memory_space<vmem>>
        %dma_start3A_151 = arith.constant 0 : i32
        %dma_start3A_152 = arith.constant 0 : i32
        %dma_start3A_153 = tpu.memref_slice %arg9[%dma_start3A_151, %dma_start3A_152] : memref<10240x128xf32, #tpu.memory_space<vmem_shared>> -> memref<10240x128xf32, #tpu.memory_space<vmem_shared>>
        tpu.enqueue_indirect_dma source(%dma_start3A_147 : memref<64x128xf32, #tpu.memory_space<vmem>>) target(%dma_start3A_153 : memref<10240x128xf32, #tpu.memory_space<vmem_shared>>) offsets(%dma_start3A_150 : memref<64xi32, #tpu.memory_space<vmem>>) semaphore(%run_scoped3A_143 : memref<!tpu.dma_semaphore, #tpu.memory_space<semaphore_mem>>) {add = true}
        %dma_wait3A_154 = arith.constant 0 : i32
        %dma_wait3A_155 = arith.constant 0 : i32
        %dma_wait3A_156 = tpu.memref_slice %arg8[%run_scoped3A_140, %dma_wait3A_154, %dma_wait3A_155] : memref<2x64x128xf32, #tpu.memory_space<vmem>> -> memref<1x64x128xf32, #tpu.memory_space<vmem>>
        %dma_wait3A_157 = tpu.memref_squeeze %dma_wait3A_156 : memref<1x64x128xf32, #tpu.memory_space<vmem>> -> memref<64x128xf32, #tpu.memory_space<vmem>>
        %dma_wait3A_158 = arith.constant 0 : i32
        %dma_wait3A_159 = tpu.memref_slice %arg7[%run_scoped3A_141, %dma_wait3A_158] : memref<32x64xi32, #tpu.memory_space<vmem>> -> memref<1x64xi32, #tpu.memory_space<vmem>>
        %dma_wait3A_160 = tpu.memref_squeeze %dma_wait3A_159 : memref<1x64xi32, #tpu.memory_space<vmem>> -> memref<64xi32, #tpu.memory_space<vmem>>
        %dma_wait3A_161 = arith.constant 0 : i32
        %dma_wait3A_162 = arith.constant 0 : i32
        %dma_wait3A_163 = tpu.memref_slice %arg9[%dma_wait3A_161, %dma_wait3A_162] : memref<10240x128xf32, #tpu.memory_space<vmem_shared>> -> memref<10240x128xf32, #tpu.memory_space<vmem_shared>>
        tpu.wait_indirect_dma semaphore(%run_scoped3A_143 : memref<!tpu.dma_semaphore, #tpu.memory_space<semaphore_mem>>) src(%dma_wait3A_157 : memref<64x128xf32, #tpu.memory_space<vmem>>) dst(%dma_wait3A_163 : memref<10240x128xf32, #tpu.memory_space<vmem_shared>>)
        tpu.yield
      }) : () -> ()
      %while3A_142 = arith.constant 0 : i32
      scf.yield %while3A_142 : i32
    }
    %barrier3A_75 = arith.constant 0 : index
    tpu.barrier barrier_id(%barrier3A_75)
    %mul3A_76 = arith.constant 640 : i32
    %mul3A_77 = arith.muli %arg1, %mul3A_76 : i32
    %mul3A_78 = arith.constant 640 : i32
    %mul3A_79 = arith.muli %arg1, %mul3A_78 : i32
    "tpu.region"() ({
      %run_scoped3A_80 = tpu.sem_alloc : memref<!tpu.dma_semaphore, #tpu.memory_space<semaphore_mem>>
      %dma_start3A = arith.constant 0 : i32
      %dma_start3A_81 = tpu.memref_slice %arg5[%arg0, %mul3A_79, %dma_start3A] : memref<2x10240x128xf32, #tpu.memory_space<hbm>> -> memref<1x640x128xf32, #tpu.memory_space<hbm>>
      %dma_start3A_82 = tpu.memref_squeeze %dma_start3A_81 : memref<1x640x128xf32, #tpu.memory_space<hbm>> -> memref<640x128xf32, #tpu.memory_space<hbm>>
      %dma_start3A_83 = arith.constant 0 : i32
      %dma_start3A_84 = tpu.memref_slice %arg9[%mul3A_77, %dma_start3A_83] : memref<10240x128xf32, #tpu.memory_space<vmem_shared>> -> memref<640x128xf32, #tpu.memory_space<vmem_shared>>
      tpu.enqueue_dma source(%dma_start3A_84 : memref<640x128xf32, #tpu.memory_space<vmem_shared>>) target(%dma_start3A_82 : memref<640x128xf32, #tpu.memory_space<hbm>>) target_semaphore(%run_scoped3A_80 : memref<!tpu.dma_semaphore, #tpu.memory_space<semaphore_mem>>)
      %dma_wait3A = arith.constant 0 : i32
      %dma_wait3A_85 = tpu.memref_slice %arg5[%arg0, %mul3A_79, %dma_wait3A] : memref<2x10240x128xf32, #tpu.memory_space<hbm>> -> memref<1x640x128xf32, #tpu.memory_space<hbm>>
      %dma_wait3A_86 = tpu.memref_squeeze %dma_wait3A_85 : memref<1x640x128xf32, #tpu.memory_space<hbm>> -> memref<640x128xf32, #tpu.memory_space<hbm>>
      %dma_wait3A_87 = arith.constant 0 : i32
      %dma_wait3A_88 = tpu.memref_slice %arg9[%mul3A_77, %dma_wait3A_87] : memref<10240x128xf32, #tpu.memory_space<vmem_shared>> -> memref<640x128xf32, #tpu.memory_space<vmem_shared>>
      tpu.wait_dma2 semaphore(%run_scoped3A_80 : memref<!tpu.dma_semaphore, #tpu.memory_space<semaphore_mem>>) src(%dma_wait3A_88 : memref<640x128xf32, #tpu.memory_space<vmem_shared>>) dst(%dma_wait3A_86 : memref<640x128xf32, #tpu.memory_space<hbm>>)
      tpu.yield
    }) : () -> ()
    return
  }
}

module attributes {stable_mosaic.version = 14 : i64} {
  func.func @_mm_body(%arg0: i32, %arg1: memref<2048x128xf32, #tpu.memory_space<vmem>>, %arg2: memref<128x128xf32, #tpu.memory_space<vmem>>, %arg3: memref<2x2048x1xf32, #tpu.memory_space<vmem>>, %arg4: memref<2048x128xf32, #tpu.memory_space<vmem>>) attributes {dimension_semantics = [#tpu.dimension_semantics<arbitrary>], iteration_bounds = array<i64: 5>, scalar_prefetch = 0 : i64, scratch_operands = 0 : i64, tpu.core_type = #tpu.core_type<tc>, window_params = [{transform_indices = @transform_0, window_bounds = array<i64: 2048, 128>}, {pipeline_mode = #tpu.pipeline_mode<synchronous>, transform_indices = @transform_1, window_bounds = array<i64: 128, 128>}, {transform_indices = @transform_2, window_bounds = array<i64: 2, 2048, 1>}, {transform_indices = @transform_3, window_bounds = array<i64: 2048, 128>}]} {
    %get3A = arith.constant 0 : index
    %get3A_0 = arith.constant 0 : index
    %get3A_1 = arith.constant 0 : index
    %get3A_2 = vector.load %arg3[%get3A, %get3A_0, %get3A_1] : memref<2x2048x1xf32, #tpu.memory_space<vmem>>, vector<1x2048x1xf32>
    %get3A_3 = vector.shape_cast %get3A_2 : vector<1x2048x1xf32> to vector<2048x1xf32>
    %get3A_4 = arith.constant 1 : index
    %get3A_5 = arith.constant 0 : index
    %get3A_6 = arith.constant 0 : index
    %get3A_7 = vector.load %arg3[%get3A_4, %get3A_5, %get3A_6] : memref<2x2048x1xf32, #tpu.memory_space<vmem>>, vector<1x2048x1xf32>
    %get3A_8 = vector.shape_cast %get3A_7 : vector<1x2048x1xf32> to vector<2048x1xf32>
    %add3A = arith.addf %get3A_3, %get3A_8 : vector<2048x1xf32>
    %add3A_9 = arith.constant 1.000000e+00 : f32
    %add3A_10 = vector.broadcast %add3A_9 : f32 to vector<2048x1xf32>
    %add3A_11 = arith.addf %add3A, %add3A_10 : vector<2048x1xf32>
    %gt3A = arith.constant 0.000000e+00 : f32
    %gt3A_12 = vector.broadcast %gt3A : f32 to vector<2048x1xf32>
    %gt3A_13 = arith.cmpf ogt, %add3A_11, %gt3A_12 : vector<2048x1xf32>
    %rsqrt3A = math.rsqrt %add3A_11 : vector<2048x1xf32>
    %jit3A = arith.constant 0.000000e+00 : f32
    %broadcast_in_dim3A = vector.broadcast %jit3A : f32 to vector<2048x1xf32>
    %select_n3A = arith.select %gt3A_13, %rsqrt3A, %broadcast_in_dim3A : vector<2048x1xi1>, vector<2048x1xf32>
    %get3A_14 = arith.constant 0 : index
    %get3A_15 = arith.constant 0 : index
    %get3A_16 = vector.load %arg1[%get3A_14, %get3A_15] : memref<2048x128xf32, #tpu.memory_space<vmem>>, vector<2048x128xf32>
    %mul3A = vector.broadcast %select_n3A : vector<2048x1xf32> to vector<2048x128xf32>
    %mul3A_17 = arith.mulf %get3A_16, %mul3A : vector<2048x128xf32>
    %get3A_18 = arith.constant 0 : index
    %get3A_19 = arith.constant 0 : index
    %get3A_20 = vector.load %arg2[%get3A_18, %get3A_19] : memref<128x128xf32, #tpu.memory_space<vmem>>, vector<128x128xf32>
    %dot_general3A = arith.constant dense<0.000000e+00> : vector<2048x128xf32>
    %dot_general3A_21 = tpu.matmul %mul3A_17, %get3A_20, %dot_general3A {dimension_numbers = #tpu.dot_dimension_numbers<[1], [0], [0], [1], [0, 0, 1, 1], [], []>, transpose_lhs_hint = false} : vector<2048x128xf32>, vector<128x128xf32>, vector<2048x128xf32> -> vector<2048x128xf32>
    %swap3A = arith.constant 0 : index
    %swap3A_22 = arith.constant 0 : index
    %swap3A_23 = vector.load %arg4[%swap3A, %swap3A_22] : memref<2048x128xf32, #tpu.memory_space<vmem>>, vector<2048x128xf32>
    tpu.vector_store %arg4[%swap3A, %swap3A_22], %dot_general3A_21 {strides = array<i32>} : memref<2048x128xf32, #tpu.memory_space<vmem>>, vector<2048x128xf32>,
    return
  }
  func.func @transform_0(%arg0: i32) -> (i32, i32) {
    %c0_i32 = arith.constant 0 : i32
    %c0_i32_0 = arith.constant 0 : i32
    return %arg0, %c0_i32 : i32, i32
  }
  func.func @transform_1(%arg0: i32) -> (i32, i32) {
    %c0_i32 = arith.constant 0 : i32
    %c0_i32_0 = arith.constant 0 : i32
    %c0_i32_1 = arith.constant 0 : i32
    return %c0_i32, %c0_i32_0 : i32, i32
  }
  func.func @transform_2(%arg0: i32) -> (i32, i32, i32) {
    %c0_i32 = arith.constant 0 : i32
    %c0_i32_0 = arith.constant 0 : i32
    %c0_i32_1 = arith.constant 0 : i32
    return %c0_i32, %arg0, %c0_i32_0 : i32, i32, i32
  }
  func.func @transform_3(%arg0: i32) -> (i32, i32) {
    %c0_i32 = arith.constant 0 : i32
    %c0_i32_0 = arith.constant 0 : i32
    return %arg0, %c0_i32 : i32, i32
  }
}

module attributes {stable_mosaic.version = 14 : i64} {
  func.func @_fin_body(%arg0: i32, %arg1: memref<2x2000x128xf32, #tpu.memory_space<vmem>>, %arg2: memref<2000x128xf32, #tpu.memory_space<vmem>>, %arg3: memref<2x2000x1xf32, #tpu.memory_space<vmem>>, %arg4: memref<1x128xf32, #tpu.memory_space<vmem>>, %arg5: memref<2000x128xf32, #tpu.memory_space<vmem>>) attributes {dimension_semantics = [#tpu.dimension_semantics<arbitrary>], iteration_bounds = array<i64: 5>, scalar_prefetch = 0 : i64, scratch_operands = 0 : i64, tpu.core_type = #tpu.core_type<tc>, window_params = [{transform_indices = @transform_0, window_bounds = array<i64: 2, 2000, 128>}, {transform_indices = @transform_1, window_bounds = array<i64: 2000, 128>}, {transform_indices = @transform_2, window_bounds = array<i64: 2, 2000, 1>}, {pipeline_mode = #tpu.pipeline_mode<synchronous>, transform_indices = @transform_3, window_bounds = array<i64: 1, 128>}, {transform_indices = @transform_4, window_bounds = array<i64: 2000, 128>}]} {
    %get3A = arith.constant 0 : index
    %get3A_0 = arith.constant 0 : index
    %get3A_1 = arith.constant 0 : index
    %get3A_2 = vector.load %arg3[%get3A, %get3A_0, %get3A_1] : memref<2x2000x1xf32, #tpu.memory_space<vmem>>, vector<1x2000x1xf32>
    %get3A_3 = vector.shape_cast %get3A_2 : vector<1x2000x1xf32> to vector<2000x1xf32>
    %get3A_4 = arith.constant 1 : index
    %get3A_5 = arith.constant 0 : index
    %get3A_6 = arith.constant 0 : index
    %get3A_7 = vector.load %arg3[%get3A_4, %get3A_5, %get3A_6] : memref<2x2000x1xf32, #tpu.memory_space<vmem>>, vector<1x2000x1xf32>
    %get3A_8 = vector.shape_cast %get3A_7 : vector<1x2000x1xf32> to vector<2000x1xf32>
    %add3A = arith.addf %get3A_3, %get3A_8 : vector<2000x1xf32>
    %add3A_9 = arith.constant 1.000000e+00 : f32
    %add3A_10 = vector.broadcast %add3A_9 : f32 to vector<2000x1xf32>
    %add3A_11 = arith.addf %add3A, %add3A_10 : vector<2000x1xf32>
    %gt3A = arith.constant 0.000000e+00 : f32
    %gt3A_12 = vector.broadcast %gt3A : f32 to vector<2000x1xf32>
    %gt3A_13 = arith.cmpf ogt, %add3A_11, %gt3A_12 : vector<2000x1xf32>
    %rsqrt3A = math.rsqrt %add3A_11 : vector<2000x1xf32>
    %jit3A = arith.constant 0.000000e+00 : f32
    %broadcast_in_dim3A = vector.broadcast %jit3A : f32 to vector<2000x1xf32>
    %select_n3A = arith.select %gt3A_13, %rsqrt3A, %broadcast_in_dim3A : vector<2000x1xi1>, vector<2000x1xf32>
    %get3A_14 = arith.constant 0 : index
    %get3A_15 = arith.constant 0 : index
    %get3A_16 = arith.constant 0 : index
    %get3A_17 = vector.load %arg1[%get3A_14, %get3A_15, %get3A_16] : memref<2x2000x128xf32, #tpu.memory_space<vmem>>, vector<1x2000x128xf32>
    %get3A_18 = vector.shape_cast %get3A_17 : vector<1x2000x128xf32> to vector<2000x128xf32>
    %get3A_19 = arith.constant 1 : index
    %get3A_20 = arith.constant 0 : index
    %get3A_21 = arith.constant 0 : index
    %get3A_22 = vector.load %arg1[%get3A_19, %get3A_20, %get3A_21] : memref<2x2000x128xf32, #tpu.memory_space<vmem>>, vector<1x2000x128xf32>
    %get3A_23 = vector.shape_cast %get3A_22 : vector<1x2000x128xf32> to vector<2000x128xf32>
    %add3A_24 = arith.addf %get3A_18, %get3A_23 : vector<2000x128xf32>
    %get3A_25 = arith.constant 0 : index
    %get3A_26 = arith.constant 0 : index
    %get3A_27 = vector.load %arg2[%get3A_25, %get3A_26] : memref<2000x128xf32, #tpu.memory_space<vmem>>, vector<2000x128xf32>
    %add3A_28 = arith.addf %add3A_24, %get3A_27 : vector<2000x128xf32>
    %mul3A = vector.broadcast %select_n3A : vector<2000x1xf32> to vector<2000x128xf32>
    %mul3A_29 = arith.mulf %mul3A, %add3A_28 : vector<2000x128xf32>
    %get3A_30 = arith.constant 0 : index
    %get3A_31 = arith.constant 0 : index
    %get3A_32 = vector.load %arg4[%get3A_30, %get3A_31] : memref<1x128xf32, #tpu.memory_space<vmem>>, vector<1x128xf32>
    %add3A_33 = vector.broadcast %get3A_32 : vector<1x128xf32> to vector<2000x128xf32>
    %add3A_34 = arith.addf %mul3A_29, %add3A_33 : vector<2000x128xf32>
    %swap3A = arith.constant 0 : index
    %swap3A_35 = arith.constant 0 : index
    %swap3A_36 = vector.load %arg5[%swap3A, %swap3A_35] : memref<2000x128xf32, #tpu.memory_space<vmem>>, vector<2000x128xf32>
    tpu.vector_store %arg5[%swap3A, %swap3A_35], %add3A_34 {strides = array<i32>} : memref<2000x128xf32, #tpu.memory_space<vmem>>, vector<2000x128xf32>,
    return
  }
  func.func @transform_0(%arg0: i32) -> (i32, i32, i32) {
    %c0_i32 = arith.constant 0 : i32
    %c0_i32_0 = arith.constant 0 : i32
    %c0_i32_1 = arith.constant 0 : i32
    return %c0_i32, %arg0, %c0_i32_0 : i32, i32, i32
  }
  func.func @transform_1(%arg0: i32) -> (i32, i32) {
    %c0_i32 = arith.constant 0 : i32
    %c0_i32_0 = arith.constant 0 : i32
    return %arg0, %c0_i32 : i32, i32
  }
  func.func @transform_2(%arg0: i32) -> (i32, i32, i32) {
    %c0_i32 = arith.constant 0 : i32
    %c0_i32_0 = arith.constant 0 : i32
    %c0_i32_1 = arith.constant 0 : i32
    return %c0_i32, %arg0, %c0_i32_0 : i32, i32, i32
  }
  func.func @transform_3(%arg0: i32) -> (i32, i32) {
    %c0_i32 = arith.constant 0 : i32
    %c0_i32_0 = arith.constant 0 : i32
    %c0_i32_1 = arith.constant 0 : i32
    return %c0_i32, %c0_i32_0 : i32, i32
  }
  func.func @transform_4(%arg0: i32) -> (i32, i32) {
    %c0_i32 = arith.constant 0 : i32
    %c0_i32_0 = arith.constant 0 : i32
    return %arg0, %c0_i32 : i32, i32
  }
}

</mosaic_0001>

<sc_bundles>
// kernel: kernel.6.cloned.1.call-start
scs
__scs_entry_jumppad:
0x0: {  	(pc) =	sbr.rel $0x88, $3  }
0x1: {  	(tag) =	ssettag $0x0;
	lr =	simm.s32 $0x1  }
0x2: {  	[smem:$0x3F9D] =	sst lr;
	_ =	strace $0xD0000000  }
0x3: {  	_ = 	snop  }
0x4: {  	_ = 	snop  }
0x5: {  	_ = 	snop  }
0x6: {  	_ = 	snop  }
0x7: {  	_ = 	snop  }
__scs_overlays_trampoline_lowered:
0x8: {  	[smem:$0x3FAC] =	sst s0  }
0x9: {  	[smem:$0x3FAD] =	sst s1  }
0xa: {  	[smem:$0x3FAE] =	sst s2  }
0xb: {  	[smem:$0x3FAF] =	sst s3  }
0xc: {  	[smem:$0x3FB0] =	sst s4  }
0xd: {  	[smem:$0x3FB1] =	sst s5  }
0xe: {  	[smem:$0x3FB2] =	sst s6  }
0xf: {  	[smem:$0x3FB3] =	sst s7  }
0x10: {  	[smem:$0x3FB4] =	sst s8  }
0x11: {  	[smem:$0x3FB5] =	sst s9;
	s0 =	simm.s32 @!p0 $0x0  }
0x12: {  	s1 =	sld [smem:$0x3F9B];
	s0 =	simm.s32 @p0 $0x1  }
0x13: {  	[smem:$0x3FB6] =	sst s0;
	s0 =	simm.s32 @!p1 $0x0  }
0x14: {  	s2 =	sld [smem:$0x3F9A];
	s0 =	simm.s32 @p1 $0x1  }
0x15: {  	[smem:$0x3FB7] =	sst s0;
	s0 =	simm.s32 @!p2 $0x0  }
0x16: {  	s3 =	sld [smem:$0x3FDB];
	s0 =	simm.s32 @p2 $0x1  }
0x17: {  	s4 =	simm.s32 $0x1BF5;
	[smem:$0x3FB9] =	sst s0  }
0x18: {  	s0 =	sld [smem:$0x3F9C];
	_ =	swait.ge [sflag:s4], $0x0  }
0x19: {  	s7 =	sld [smem:$0x3F9D]  }
0x1a: {  	s8 =	sadd.s32 $0xFFFFE003, lr  }
0x1b: {  	s9 =	sadd.s32 $0xFFFFFEF7, lr;
	s5 =	simm.s32 $0xFFFFFFFF;
	p2 =	slt.u32 s8, $0xFFFFF086  }
0x1c: {  	p1 =	slt.u32 s9, $0xF7A;
	s5 =	simm.s32 @!p2 $0x0  }
0x1d: {  	s5 =	simm.s32 @p1 $0x1;
	p0 =	seq.s32 s7, s2  }
0x1e: {  	s7 =	smul.u32 @!p0 $0xF7A, s2;
	p2 =	seq.s32 @!p0 s5, $0x0  }
0x1f: {  	s9 =	smul.u32 $0xF7A, s1;
	s8 =	simm.s32 @!p0 $0x1BF5;
	p2 =	por !p2, p0  }
0x20: {  	[sflag:s8] =	ssyncset.s32 @!p0 $0xFFFFF086;
	s6 =	sadd.s32 @!p0 s3, s7;
	s7 =	simm.s32 @!p0 $0x108  }
0x21: {  	s3 =	sadd.s32 s3, s9;
	s6 =	sadd.s32 @!p0 $0x88, s6;
	s7 =	simm.s32 @p2 $0x1082  }
0x22: {  	[simem:s7], [sflag:s8] =	dma.local @!p0 [hbm:s6], $0xF7A  }
0x23: {  	s9 =	sor.u32 $0xD0000000, s2;
	s6 =	simm.s32 $0x108;
	_ =	swait.ge @!p0 [sflag:s8], $0x0  }
0x24: {  	s3 =	sadd.s32 $0x88, s3;
	s6 =	simm.s32 @!p1 $0x1082;
	[sflag:s4] =	ssyncset.s32 $0xFFFFF086  }
0x25: {  	[simem:s6], [sflag:s4] =	dma.local [hbm:s3], $0xF7A  }
0x26: {  	[smem:$0x3F9D] =	sst s1;
	(tag) =	ssettag s2;
	_ =	strace s9  }
0x27: {  	s1 =	sld [smem:$0x3FAD]  }
0x28: {  	s2 =	sld [smem:$0x3FAE]  }
0x29: {  	s4 =	sld [smem:$0x3FB0]  }
0x2a: {  	p0 =	seq.s32 s5, $0x0;
	s5 =	sld [smem:$0x3FB1]  }
0x2b: {  	s6 =	sld [smem:$0x3FB2]  }
0x2c: {  	s7 =	sld [smem:$0x3FB3]  }
0x2d: {  	s3 =	simm.s32 $0x108;
	s8 =	sld [smem:$0x3FB4]  }
0x2e: {  	s3 =	simm.s32 @!p0 $0x1082;
	s9 =	sld [smem:$0x3FB5]  }
0x2f: {  	lr =	sadd.s32 s0, s3;
	s0 =	sld [smem:$0x3FAC]  }
0x30: {  	s3 =	sld [smem:$0x3FAF]  }
0x31: {  	[smem:$0x3FB8] =	sst s10  }
0x32: {  	s10 =	sld [smem:$0x3FB6];
	_ =	sdelay $0x3  }
0x33: {  	p0 =	seq.s32 s10, $0x1;
	s10 =	sld [smem:$0x3FB8];
	_ =	sdelay $0x3  }
0x34: {  	[smem:$0x3FB8] =	sst s10  }
0x35: {  	s10 =	sld [smem:$0x3FB7];
	_ =	sdelay $0x3  }
0x36: {  	p1 =	seq.s32 s10, $0x1;
	s10 =	sld [smem:$0x3FB8];
	_ =	sdelay $0x3  }
0x37: {  	[smem:$0x3FB8] =	sst s10  }
0x38: {  	s10 =	sld [smem:$0x3FB9]  }
0x39: {  	_ = 	snop;
	(pc) =	sbr.ind lr, $3  }
0x3a: {  	_ = 	snop  }
0x3b: {  	_ = 	snop  }
0x3c: {  	p2 =	seq.s32 s10, $0x1;
	s10 =	sld [smem:$0x3FB8]  }
0x3d: {  	_ =	shalt  }
0x3e: {  	_ =	shalt  }
0x3f: {  	_ =	shalt  }
0x40: {  	_ =	shalt  }
0x41: {  	_ =	shalt  }
0x42: {  	_ =	shalt  }
0x43: {  	_ =	shalt  }
0x44: {  	_ =	shalt  }
0x45: {  	_ =	shalt  }
0x46: {  	_ =	shalt  }
0x47: {  	_ =	shalt  }
0x48: {  	_ =	shalt  }
0x49: {  	_ =	shalt  }
0x4a: {  	_ =	shalt  }
0x4b: {  	_ =	shalt  }
0x4c: {  	_ =	shalt  }
0x4d: {  	_ =	shalt  }
0x4e: {  	_ =	shalt  }
0x4f: {  	_ =	shalt  }
0x50: {  	_ =	shalt  }
0x51: {  	_ =	shalt  }
0x52: {  	_ =	shalt  }
0x53: {  	_ =	shalt  }
0x54: {  	_ =	shalt  }
0x55: {  	_ =	shalt  }
0x56: {  	_ =	shalt  }
0x57: {  	_ =	shalt  }
0x58: {  	_ =	shalt  }
0x59: {  	_ =	shalt  }
0x5a: {  	_ =	shalt  }
0x5b: {  	_ =	shalt  }
0x5c: {  	_ =	shalt  }
0x5d: {  	_ =	shalt  }
0x5e: {  	_ =	shalt  }
0x5f: {  	_ =	shalt  }
0x60: {  	_ =	shalt  }
0x61: {  	_ =	shalt  }
0x62: {  	_ =	shalt  }
0x63: {  	_ =	shalt  }
0x64: {  	_ =	shalt  }
0x65: {  	_ =	shalt  }
0x66: {  	_ =	shalt  }
0x67: {  	_ =	shalt  }
0x68: {  	_ =	shalt  }
0x69: {  	_ =	shalt  }
0x6a: {  	_ =	shalt  }
0x6b: {  	_ =	shalt  }
0x6c: {  	_ =	shalt  }
0x6d: {  	_ =	shalt  }
0x6e: {  	_ =	shalt  }
0x6f: {  	_ =	shalt  }
0x70: {  	_ =	shalt  }
0x71: {  	_ =	shalt  }
0x72: {  	_ =	shalt  }
0x73: {  	_ =	shalt  }
0x74: {  	_ =	shalt  }
0x75: {  	_ =	shalt  }
0x76: {  	_ =	shalt  }
0x77: {  	_ =	shalt  }
0x78: {  	_ =	shalt  }
0x79: {  	_ =	shalt  }
0x7a: {  	_ =	shalt  }
0x7b: {  	_ =	shalt  }
0x7c: {  	_ =	shalt  }
0x7d: {  	_ =	shalt  }
0x7e: {  	_ =	shalt  }
0x7f: {  	_ =	shalt  }
0x80: {  	_ =	shalt  }
0x81: {  	_ =	shalt  }
0x82: {  	_ =	shalt  }
0x83: {  	_ =	shalt  }
0x84: {  	_ =	shalt  }
0x85: {  	_ =	shalt  }
0x86: {  	_ =	shalt  }
0x87: {  	_ =	shalt  }
.Lfunc_end0:
.L_simem_size_0:
called_computation_lowered:
.L_overlay_start_0:
0x88: {  	s2 =	sld [smem:$0x3FD9]  }
0x89: {  	s3 =	sld [smem:$0x3FFE];
	_ =	sdelay $0x1  }
0x8a: {  	s1 =	srdreg.scid  }
0x8b: {  	s0 =	sand.u32 $0x1, s1  }
0x8c: {  	s17 =	sshll.u32 s0, $0xA;
	s2 =	sadd.s32 s3, s2  }
0x8d: {  	s2 =	sadd.s32 s2, s17  }
0x8e: {  	[smem:$0x3FC4] =	sst s2  }
0x8f: {  	_ = 	snop  }
0x90: {  	s2 =	sld [smem:$0x3FD0];
	(tm) =	ssettm $0x1  }
0x91: {  	s18 =	sld [smem:$0x3FFB];
	_ =	sdelay $0x3  }
0x92: {  	_ =	strace s18  }
0x93: {  	s3 =	sld [smem:$0x3FFC];
	_ =	sdelay $0x3  }
0x94: {  	_ =	strace s3  }
0x95: {  	s3 =	sld [smem:$0x3FFD];
	_ =	sdelay $0x3  }
0x96: {  	_ =	strace s3  }
0x97: {  	_ =	strace $0x8FFFFFFF  }
0x98: {  	s19 =	sld [smem:$0x3FDB];
	_ =	sdelay $0x1  }
0x99: {  	s4 =	simm.s32 $_scs_section_size  }
0x9a: {  	s5 =	simm.s32 $_size__tile_overlayer_lowered;
	s6 =	simm.s32 $_tile_overlayer_lowered  }
0x9b: {  	s22 =	simm.s32 $0x1BFF;
	s21 =	sshll.u32 s6, $0x1;
	s3 =	sadd.s32 s4, s19  }
0x9c: {  	s7 =	simm.s32 $0x0;
	s20 =	sshll.u32 s5, $0x1;
	s5 =	sadd.s32 s21, s3  }
0x9d: {  	[timem:s7], [sflag:s22] =	dma.local [hbm:s5], s20  }
0x9e: {  	_ =	swait.ge [sflag:s22], s20  }
0x9f: {  	s4 =	ssub.s32 $0x0, s20;
	[sflag:s22] =	ssyncset.done $0x0  }
0xa0: {  	[sflag:s22] =	ssyncadd.s32 s4;
	_ =	sdelay $0x1  }
0xa1: {  	s23 =	simm.s32 $0x1B8B  }
0xa2: {  	_ =	swait.ge [sflag:s23], $0x1  }
0xa3: {  	[sflag:s23] =	ssyncset.done $0x0  }
0xa4: {  	s25 =	simm.s32 $0x1B8E;
	s24 =	sld [smem:$0x3FFE];
	[sflag:s23] =	ssyncadd.s32 $0xFFFFFFFF  }
0xa5: {  	s26 =	simm.s32 $execute0_lowered;
	[smem:$0x3FD2] =	sst s25  }
0xa6: {  	s5 =	sshll.u32 s26, $0x1;
	_ =	strace $0x80000046;
	[dreg:$0x1] =	wrdreg $0xFFFFFFFF  }
0xa7: {  	s28 =	simm.s32 $_size_execute0_lowered;
	s3 =	sadd.s32 s3, s5;
	[dreg:$0x0] =	wrdreg $0x0  }
0xa8: {  	s5 =	sshll.u32 s28, $0x1;
	[dreg:$0x2] =	wrdreg s3  }
0xa9: {  	[dreg:$0x3] =	wrdreg s5  }
0xaa: {  	[dreg:$0x4] =	wrdreg $0xC0  }
0xab: {  	_ =	task [dreg:s7], $0x5FFFF  }
0xac: {  	[dreg:$0x1] =	wrdreg $0xFFFFFFFF  }
0xad: {  	[dreg:$0x0] =	wrdreg $0x60  }
0xae: {  	[dreg:$0x2] =	wrdreg s2  }
0xaf: {  	[dreg:$0x3] =	wrdreg s24  }
0xb0: {  	[dreg:$0x4] =	wrdreg $0x53000  }
0xb1: {  	[dreg:$0x5] =	wrdreg $0x9  }
0xb2: {  	_ =	task.clear_ibuf [dreg:s7], $0x6FFFF;
	_ =	strace $0x90000046  }
0xb3: {  	s29 =	simm.s32 $0x9;
	_ =	strace $0x80000048  }
0xb4: {  	_ =	swait.ge [sflag:s29], $0x1  }
0xb5: {  	[sflag:s29] =	ssyncadd.s32 $0xFFFFFFFF  }
0xb6: {  	_ =	strace $0x90000048  }
0xb7: {  	_ =	sfence  }
0xb8: {  	s30 =	sld [smem:$0x0];
	_ =	sdelay $0x2  }
0xb9: {  	s31 =	sshll.u32 s1, $0xD;
	s1 =	sshrl.u32 s1, $0x2  }
0xba: {  	s3 =	sand.u32 $0x4000, s31;
	s1 =	sadd.s32 s1, s30  }
0xbb: {  	s0 =	sor.u32 s3, s0;
	s1 =	sshll.u32 s1, $0x11  }
0xbc: {  	s0 =	sor.u32 s1, s0  }
0xbd: {  	s0 =	sadd.s32 $0x8F2B, s0  }
0xbe: {  	[sflag:s0] =	ssyncadd.remote.s32 $0x1  }
0xbf: {  	_ =	sfence.sel $0xFFFF  }
0xc0: {  	[dreg:$0x0] =	wrdreg $0xFFFFFFFF;
	(pc) =	sbr.abs _section_cstart, $3  }
0xc1: {  	[dreg:$0x1] =	wrdreg $0xFFFFFFFF  }
0xc2: {  	_ =	task.clear_ibuf [dreg:s7], $0x2FFFF;
	_ =	strace $0x9FFFFFFF  }
0xc3: {  	(tm) =	ssettm $0x7FFFFFFF  }
tec
execute0_lowered:
.L_overlay_start_1:
0x0: {  	(tag) =	ssettag $0x1  }
0x1: {  	s5 =	rddreg [dreg:$0x0]  }
0x2: {  	s4 =	rddreg [dreg:$0x1]  }
0x3: {  	s2 =	rddreg [dreg:$0x2]  }
0x4: {  	s0 =	rddreg [dreg:$0x3]  }
0x5: {  	s3 =	simm.s32 $0x0;
	s6 =	srdreg.scid;
	s1 =	stileid.u32  }
0x6: {  	s11 =	simm.s32 $0x5000;
	s14 =	simm.s32 $0x20;
	s15 =	simm.s32 $0x10  }
0x7: {  	s16 =	simm.s32 $0x0;
	[smem:$0x7FF] =	sst s3;
	s7 =	smul.u32 $0x500, s1  }
0x8: {  	s6 =	sand.u32 $0x1, s6;
	s30 =	smul.u32 $0xA00, s1;
	s12 =	sshll.u32 s1, $0x6  }
0x9: {  	_ =	strace $0x80000047;
	s8 =	sshll.u32 s6, $0x7;
	s9 =	sshll.u32 s6, $0x4  }
0xa: {  	s6 =	ssub.s32 $0x2, s6;
	s12 =	sor.u32 $0x1C01, s12;
	s7 =	sor.u32 s8, s7  }
0xb: {  	s9 =	sor.u32 s1, s9;
	s31 =	sshrl.u32 s6, $0x1;
	s8 =	sshrl.u32 s30, $0x2  }
0xc: {  	s7 =	sshrl.u32 s7, $0x3;
	s9 =	smul.u32 $0xA00, s9;
	s10 =	ssub.s32 s6, s31  }
0xd: {  	s7 =	sadd.s32 s7, s4;
	s4 =	sadd.s32 s8, s2;
	s8 =	simm.s32 $0x5080  }
0xe: {  	s5 =	sadd.s32 s5, s9;
	s6 =	sadd.s32 $0x1A00, s7;
	s7 =	smax.u32 s10, $0x1  }
0xf: {  	v0 =	vimm.f32 $1.000000000e+00;
	v1 =	vimm.f32 $0.0e+00;
	s9 =	simm.s32 $0x1;
	s10 =	simm.s32 $0x40;
	s13 =	sshrl.u32 s4, $0x3  }
.LBB2_1:
0x10: {  	[tilespmem:$0x5000] =	vst v0  }
0x11: {  	[tilespmem:$0x5010] =	vst v0  }
0x12: {  	[tilespmem:$0x5020] =	vst v0  }
0x13: {  	[tilespmem:$0x5030] =	vst v0  }
0x14: {  	[tilespmem:$0x5080] =	vst v1  }
0x15: {  	[tilespmem:$0x5090] =	vst v1  }
0x16: {  	[tilespmem:$0x50A0] =	vst v1  }
0x17: {  	[tilespmem:$0x50B0] =	vst v1  }
0x18: {  	[tilespmem:$0x50C0] =	vst v1  }
0x19: {  	[tilespmem:$0x50D0] =	vst v1  }
0x1a: {  	[tilespmem:$0x50E0] =	vst v1  }
0x1b: {  	[tilespmem:$0x50F0] =	vst v1  }
0x1c: {  	[tilespmem:$0x5100] =	vst v1  }
0x1d: {  	[tilespmem:$0x5110] =	vst v1  }
0x1e: {  	[tilespmem:$0x5120] =	vst v1  }
0x1f: {  	[tilespmem:$0x5130] =	vst v1  }
0x20: {  	[tilespmem:$0x5140] =	vst v1  }
0x21: {  	[tilespmem:$0x5150] =	vst v1  }
0x22: {  	[tilespmem:$0x5160] =	vst v1  }
0x23: {  	[tilespmem:$0x5170] =	vst v1  }
0x24: {  	[tilespmem:$0x5180] =	vst v1  }
0x25: {  	[tilespmem:$0x5190] =	vst v1  }
0x26: {  	[tilespmem:$0x51A0] =	vst v1  }
0x27: {  	[tilespmem:$0x51B0] =	vst v1  }
0x28: {  	[tilespmem:$0x51C0] =	vst v1  }
0x29: {  	[tilespmem:$0x51D0] =	vst v1  }
0x2a: {  	[tilespmem:$0x51E0] =	vst v1  }
0x2b: {  	[tilespmem:$0x51F0] =	vst v1  }
0x2c: {  	[tilespmem:$0x5200] =	vst v1  }
0x2d: {  	[tilespmem:$0x5210] =	vst v1  }
0x2e: {  	[tilespmem:$0x5220] =	vst v1  }
0x2f: {  	[tilespmem:$0x5230] =	vst v1  }
0x30: {  	[tilespmem:$0x5240] =	vst v1  }
0x31: {  	[tilespmem:$0x5250] =	vst v1  }
0x32: {  	[tilespmem:$0x5260] =	vst v1  }
0x33: {  	[tilespmem:$0x5270] =	vst v1  }
0x34: {  	[tilespmem:$0x5280] =	vst v1  }
0x35: {  	[tilespmem:$0x5290] =	vst v1  }
0x36: {  	[tilespmem:$0x52A0] =	vst v1  }
0x37: {  	[tilespmem:$0x52B0] =	vst v1  }
0x38: {  	[tilespmem:$0x52C0] =	vst v1  }
0x39: {  	[tilespmem:$0x52D0] =	vst v1  }
0x3a: {  	[tilespmem:$0x52E0] =	vst v1  }
0x3b: {  	[tilespmem:$0x52F0] =	vst v1  }
0x3c: {  	[spmem:s4] =	stream.linear.scatter [tilespmem:s8], [sflag:$0x1], $0x280, $0x38;
	[tilespmem:$0x5580] =	vst v63  }
0x3d: {  	_ =	swait.ge [sflag:s9], $0x280  }
0x3e: {  	[sflag:s9] =	ssyncset.done $0x0  }
0x3f: {  	[sflag:s9] =	ssyncadd.s32 $0xFFFFFD80  }
0x40: {  	[bflag:$0x0] =	sbarrier.arrive $0xFFFF  }
0x41: {  	[tilespmem:s3], [sflag:$0x1] =	stream.linear.gather [hbm4b:s5+s3], $0x5000, $0x38;
	[tilespmem:$0x5580] =	vst v63  }
0x42: {  	_ =	swait.ge [sflag:s9], $0x5000  }
0x43: {  	[sflag:s9] =	ssyncset.done $0x0  }
0x44: {  	s17 =	simm.s32 $0x0;
	[sflag:s9] =	ssyncadd.s32 $0xFFFFB000  }
0x45: {  	[spmem:s2] =	stream.indirect.scatter.add.f32 [tilespmem:s11], [sflag:$0x1], $0x1, s17, s10, $0xb8;
	[tilespmem:$0x5580] =	vst v63  }
0x46: {  	_ =	swait.ge [sflag:s9], $0x40  }
0x47: {  	s17 =	simm.s32 $0x200;
	[sflag:s9] =	ssyncset.done $0x0  }
.LBB2_2:
0x48: {  	s18 =	sshra.s32 s17, $0x2;
	[sflag:s9] =	ssyncadd.s32 $0xFFFFFFC0;
	p0 =	sne.s32 s17, $0x13E00  }
0x49: {  	[spmem:s2] =	stream.indirect.scatter.add.f32 [tilespmem:s11], [sflag:$0x1], $0x1, s18, s10, $0xb8;
	[tilespmem:$0x5580] =	vst v63  }
.Ltmp0:
0x4a: {  	_ = 	snop;
	(pc) =	sbr.rel @p0 .LBB2_2-.Ltmp0, $4  }
0x4b: {  	_ = 	snop  }
0x4c: {  	s17 =	sadd.s32 $0x200, s17  }
0x4d: {  	_ =	swait.ge [sflag:s9], $0x40  }
0x4e: {  	[sflag:s9] =	ssyncset.done $0x0  }
0x4f: {  	s16 =	sadd.s32 $0x1, s16  }
0x50: {  	[sflag:s9] =	ssyncadd.s32 $0xFFFFFFC0;
	p0 =	sne.s32 s16, s7  }
.Ltmp1:
0x51: {  	[bflag:$0x0] =	sbarrier.arrive $0xFFFF;
	(pc) =	sbr.rel @p0 .LBB2_1-.Ltmp1, $4  }
0x52: {  	[hbm:s6@s14], [sflag:s12] =	dma.strided [spmem:s13@s15], $0x50, s9, $0x10   }
0x53: {  	_ =	swait.ge [sflag:s9], $0x50  }
0x54: {  	[sflag:s9] =	ssyncset.done $0x0  }
0x55: {  	[sflag:s9] =	ssyncadd.s32 $0xFFFFFFB0  }
0x56: {  	_ =	sfence.sel $0x180000  }
0x57: {  	[bflag:$0x0] =	sbarrier.arrive $0xFFFF  }
0x58: {  	p0 =	sne.s32 s1, $0x0;
	_ =	strace $0x90000047  }
0x59: {  	s0 =	sadd.s32 @!p0 $0x100000, s0;
	[bflag:$0x2] =	sbarrier.arrive $0xFFFF  }
0x5a: {  	[sflag:s0] =	ssyncadd.tile.s32 @!p0 $0x1;
	_ =	shalt  }
.Lfunc_end2:
_tile_overlayer_lowered:
.L_overlay_start_2:
0x5b: {  	(tag) =	ssettag $0x2  }
0x5c: {  	s0 =	rddreg [dreg:$0x0];
	s2 =	stileid.u32  }
0x5d: {  	s1 =	rddreg [dreg:$0x1];
	p0 =	sne.s32 s2, $0x0  }
0x5e: {  	s3 =	rddreg [dreg:$0x2];
	[bflag:$0x3] =	sbarrier.arrive $0xFFFF;
	s2 =	simm.s32 @!p0 $0x1C01  }
0x5f: {  	[timem:s3], [sflag:s2] =	dma.local @!p0 [hbm:s0], s1  }
0x60: {  	s0 =	simm.s32 @!p0 $0x1  }
0x61: {  	_ =	swait.ge @!p0 [sflag:s0], s1  }
0x62: {  	s1 =	ssub.s32 @!p0 $0x0, s1;
	[sflag:s0] =	ssyncset.done @!p0 $0x0  }
0x63: {  	[sflag:s0] =	ssyncadd.s32 @!p0 s1  }
0x64: {  	[bflag:$0x3] =	sbarrier.arrive $0xFFFF  }
0x65: {  	_ =	shalt  }

// kernel: kernel.9.cloned.1.call-start
scs
__scs_entry_jumppad:
0x0: {  	(pc) =	sbr.rel $0x88, $3  }
0x1: {  	(tag) =	ssettag $0x0;
	lr =	simm.s32 $0x1  }
0x2: {  	[smem:$0x3F9D] =	sst lr;
	_ =	strace $0xD0000000  }
0x3: {  	_ = 	snop  }
0x4: {  	_ = 	snop  }
0x5: {  	_ = 	snop  }
0x6: {  	_ = 	snop  }
0x7: {  	_ = 	snop  }
__scs_overlays_trampoline_lowered:
0x8: {  	[smem:$0x3FAC] =	sst s0  }
0x9: {  	[smem:$0x3FAD] =	sst s1  }
0xa: {  	[smem:$0x3FAE] =	sst s2  }
0xb: {  	[smem:$0x3FAF] =	sst s3  }
0xc: {  	[smem:$0x3FB0] =	sst s4  }
0xd: {  	[smem:$0x3FB1] =	sst s5  }
0xe: {  	[smem:$0x3FB2] =	sst s6  }
0xf: {  	[smem:$0x3FB3] =	sst s7  }
0x10: {  	[smem:$0x3FB4] =	sst s8  }
0x11: {  	[smem:$0x3FB5] =	sst s9;
	s0 =	simm.s32 @!p0 $0x0  }
0x12: {  	s1 =	sld [smem:$0x3F9B];
	s0 =	simm.s32 @p0 $0x1  }
0x13: {  	[smem:$0x3FB6] =	sst s0;
	s0 =	simm.s32 @!p1 $0x0  }
0x14: {  	s2 =	sld [smem:$0x3F9A];
	s0 =	simm.s32 @p1 $0x1  }
0x15: {  	[smem:$0x3FB7] =	sst s0;
	s0 =	simm.s32 @!p2 $0x0  }
0x16: {  	s3 =	sld [smem:$0x3FDB];
	s0 =	simm.s32 @p2 $0x1  }
0x17: {  	s4 =	simm.s32 $0x1BF5;
	[smem:$0x3FB9] =	sst s0  }
0x18: {  	s0 =	sld [smem:$0x3F9C];
	_ =	swait.ge [sflag:s4], $0x0  }
0x19: {  	s7 =	sld [smem:$0x3F9D]  }
0x1a: {  	s8 =	sadd.s32 $0xFFFFE003, lr  }
0x1b: {  	s9 =	sadd.s32 $0xFFFFFEF7, lr;
	s5 =	simm.s32 $0xFFFFFFFF;
	p2 =	slt.u32 s8, $0xFFFFF086  }
0x1c: {  	p1 =	slt.u32 s9, $0xF7A;
	s5 =	simm.s32 @!p2 $0x0  }
0x1d: {  	s5 =	simm.s32 @p1 $0x1;
	p0 =	seq.s32 s7, s2  }
0x1e: {  	s7 =	smul.u32 @!p0 $0xF7A, s2;
	p2 =	seq.s32 @!p0 s5, $0x0  }
0x1f: {  	s9 =	smul.u32 $0xF7A, s1;
	s8 =	simm.s32 @!p0 $0x1BF5;
	p2 =	por !p2, p0  }
0x20: {  	[sflag:s8] =	ssyncset.s32 @!p0 $0xFFFFF086;
	s6 =	sadd.s32 @!p0 s3, s7;
	s7 =	simm.s32 @!p0 $0x108  }
0x21: {  	s3 =	sadd.s32 s3, s9;
	s6 =	sadd.s32 @!p0 $0x88, s6;
	s7 =	simm.s32 @p2 $0x1082  }
0x22: {  	[simem:s7], [sflag:s8] =	dma.local @!p0 [hbm:s6], $0xF7A  }
0x23: {  	s9 =	sor.u32 $0xD0000000, s2;
	s6 =	simm.s32 $0x108;
	_ =	swait.ge @!p0 [sflag:s8], $0x0  }
0x24: {  	s3 =	sadd.s32 $0x88, s3;
	s6 =	simm.s32 @!p1 $0x1082;
	[sflag:s4] =	ssyncset.s32 $0xFFFFF086  }
0x25: {  	[simem:s6], [sflag:s4] =	dma.local [hbm:s3], $0xF7A  }
0x26: {  	[smem:$0x3F9D] =	sst s1;
	(tag) =	ssettag s2;
	_ =	strace s9  }
0x27: {  	s1 =	sld [smem:$0x3FAD]  }
0x28: {  	s2 =	sld [smem:$0x3FAE]  }
0x29: {  	s4 =	sld [smem:$0x3FB0]  }
0x2a: {  	p0 =	seq.s32 s5, $0x0;
	s5 =	sld [smem:$0x3FB1]  }
0x2b: {  	s6 =	sld [smem:$0x3FB2]  }
0x2c: {  	s7 =	sld [smem:$0x3FB3]  }
0x2d: {  	s3 =	simm.s32 $0x108;
	s8 =	sld [smem:$0x3FB4]  }
0x2e: {  	s3 =	simm.s32 @!p0 $0x1082;
	s9 =	sld [smem:$0x3FB5]  }
0x2f: {  	lr =	sadd.s32 s0, s3;
	s0 =	sld [smem:$0x3FAC]  }
0x30: {  	s3 =	sld [smem:$0x3FAF]  }
0x31: {  	[smem:$0x3FB8] =	sst s10  }
0x32: {  	s10 =	sld [smem:$0x3FB6];
	_ =	sdelay $0x3  }
0x33: {  	p0 =	seq.s32 s10, $0x1;
	s10 =	sld [smem:$0x3FB8];
	_ =	sdelay $0x3  }
0x34: {  	[smem:$0x3FB8] =	sst s10  }
0x35: {  	s10 =	sld [smem:$0x3FB7];
	_ =	sdelay $0x3  }
0x36: {  	p1 =	seq.s32 s10, $0x1;
	s10 =	sld [smem:$0x3FB8];
	_ =	sdelay $0x3  }
0x37: {  	[smem:$0x3FB8] =	sst s10  }
0x38: {  	s10 =	sld [smem:$0x3FB9]  }
0x39: {  	_ = 	snop;
	(pc) =	sbr.ind lr, $3  }
0x3a: {  	_ = 	snop  }
0x3b: {  	_ = 	snop  }
0x3c: {  	p2 =	seq.s32 s10, $0x1;
	s10 =	sld [smem:$0x3FB8]  }
0x3d: {  	_ =	shalt  }
0x3e: {  	_ =	shalt  }
0x3f: {  	_ =	shalt  }
0x40: {  	_ =	shalt  }
0x41: {  	_ =	shalt  }
0x42: {  	_ =	shalt  }
0x43: {  	_ =	shalt  }
0x44: {  	_ =	shalt  }
0x45: {  	_ =	shalt  }
0x46: {  	_ =	shalt  }
0x47: {  	_ =	shalt  }
0x48: {  	_ =	shalt  }
0x49: {  	_ =	shalt  }
0x4a: {  	_ =	shalt  }
0x4b: {  	_ =	shalt  }
0x4c: {  	_ =	shalt  }
0x4d: {  	_ =	shalt  }
0x4e: {  	_ =	shalt  }
0x4f: {  	_ =	shalt  }
0x50: {  	_ =	shalt  }
0x51: {  	_ =	shalt  }
0x52: {  	_ =	shalt  }
0x53: {  	_ =	shalt  }
0x54: {  	_ =	shalt  }
0x55: {  	_ =	shalt  }
0x56: {  	_ =	shalt  }
0x57: {  	_ =	shalt  }
0x58: {  	_ =	shalt  }
0x59: {  	_ =	shalt  }
0x5a: {  	_ =	shalt  }
0x5b: {  	_ =	shalt  }
0x5c: {  	_ =	shalt  }
0x5d: {  	_ =	shalt  }
0x5e: {  	_ =	shalt  }
0x5f: {  	_ =	shalt  }
0x60: {  	_ =	shalt  }
0x61: {  	_ =	shalt  }
0x62: {  	_ =	shalt  }
0x63: {  	_ =	shalt  }
0x64: {  	_ =	shalt  }
0x65: {  	_ =	shalt  }
0x66: {  	_ =	shalt  }
0x67: {  	_ =	shalt  }
0x68: {  	_ =	shalt  }
0x69: {  	_ =	shalt  }
0x6a: {  	_ =	shalt  }
0x6b: {  	_ =	shalt  }
0x6c: {  	_ =	shalt  }
0x6d: {  	_ =	shalt  }
0x6e: {  	_ =	shalt  }
0x6f: {  	_ =	shalt  }
0x70: {  	_ =	shalt  }
0x71: {  	_ =	shalt  }
0x72: {  	_ =	shalt  }
0x73: {  	_ =	shalt  }
0x74: {  	_ =	shalt  }
0x75: {  	_ =	shalt  }
0x76: {  	_ =	shalt  }
0x77: {  	_ =	shalt  }
0x78: {  	_ =	shalt  }
0x79: {  	_ =	shalt  }
0x7a: {  	_ =	shalt  }
0x7b: {  	_ =	shalt  }
0x7c: {  	_ =	shalt  }
0x7d: {  	_ =	shalt  }
0x7e: {  	_ =	shalt  }
0x7f: {  	_ =	shalt  }
0x80: {  	_ =	shalt  }
0x81: {  	_ =	shalt  }
0x82: {  	_ =	shalt  }
0x83: {  	_ =	shalt  }
0x84: {  	_ =	shalt  }
0x85: {  	_ =	shalt  }
0x86: {  	_ =	shalt  }
0x87: {  	_ =	shalt  }
.Lfunc_end0:
.L_simem_size_0:
called_computation.1_lowered:
.L_overlay_start_0:
0x88: {  	s2 =	sld [smem:$0x3FD9]  }
0x89: {  	s3 =	sld [smem:$0x3FFE];
	_ =	sdelay $0x1  }
0x8a: {  	s1 =	srdreg.scid  }
0x8b: {  	s0 =	sand.u32 $0x1, s1  }
0x8c: {  	s17 =	sshll.u32 s0, $0xA;
	s2 =	sadd.s32 s3, s2  }
0x8d: {  	s2 =	sadd.s32 s2, s17  }
0x8e: {  	[smem:$0x3FC4] =	sst s2  }
0x8f: {  	_ = 	snop  }
0x90: {  	s2 =	sld [smem:$0x3FD0];
	(tm) =	ssettm $0x1  }
0x91: {  	s18 =	sld [smem:$0x3FFB];
	_ =	sdelay $0x3  }
0x92: {  	_ =	strace s18  }
0x93: {  	s3 =	sld [smem:$0x3FFC];
	_ =	sdelay $0x3  }
0x94: {  	_ =	strace s3  }
0x95: {  	s3 =	sld [smem:$0x3FFD];
	_ =	sdelay $0x3  }
0x96: {  	_ =	strace s3  }
0x97: {  	_ =	strace $0x8FFFFFFF  }
0x98: {  	s19 =	sld [smem:$0x3FDB];
	_ =	sdelay $0x1  }
0x99: {  	s4 =	simm.s32 $_scs_section_size  }
0x9a: {  	s5 =	simm.s32 $_size__tile_overlayer_lowered;
	s6 =	simm.s32 $_tile_overlayer_lowered  }
0x9b: {  	s22 =	simm.s32 $0x1BFF;
	s21 =	sshll.u32 s6, $0x1;
	s3 =	sadd.s32 s4, s19  }
0x9c: {  	s7 =	simm.s32 $0x0;
	s20 =	sshll.u32 s5, $0x1;
	s5 =	sadd.s32 s21, s3  }
0x9d: {  	[timem:s7], [sflag:s22] =	dma.local [hbm:s5], s20  }
0x9e: {  	_ =	swait.ge [sflag:s22], s20  }
0x9f: {  	s4 =	ssub.s32 $0x0, s20;
	[sflag:s22] =	ssyncset.done $0x0  }
0xa0: {  	[sflag:s22] =	ssyncadd.s32 s4;
	_ =	sdelay $0x1  }
0xa1: {  	s23 =	simm.s32 $0x1B8B  }
0xa2: {  	_ =	swait.ge [sflag:s23], $0x1  }
0xa3: {  	[sflag:s23] =	ssyncset.done $0x0  }
0xa4: {  	s25 =	simm.s32 $0x1B8E;
	s24 =	sld [smem:$0x3FFE];
	[sflag:s23] =	ssyncadd.s32 $0xFFFFFFFF  }
0xa5: {  	s26 =	simm.s32 $execute0_lowered;
	[smem:$0x3FD2] =	sst s25  }
0xa6: {  	s5 =	sshll.u32 s26, $0x1;
	_ =	strace $0x80000049;
	[dreg:$0x1] =	wrdreg $0xFFFFFFFF  }
0xa7: {  	s28 =	simm.s32 $_size_execute0_lowered;
	s3 =	sadd.s32 s3, s5;
	[dreg:$0x0] =	wrdreg $0x0  }
0xa8: {  	s5 =	sshll.u32 s28, $0x1;
	[dreg:$0x2] =	wrdreg s3  }
0xa9: {  	[dreg:$0x3] =	wrdreg s5  }
0xaa: {  	[dreg:$0x4] =	wrdreg $0xC0  }
0xab: {  	_ =	task [dreg:s7], $0x5FFFF  }
0xac: {  	[dreg:$0x1] =	wrdreg $0xFFFFFFFF  }
0xad: {  	[dreg:$0x0] =	wrdreg $0x60  }
0xae: {  	[dreg:$0x2] =	wrdreg s24  }
0xaf: {  	[dreg:$0x3] =	wrdreg s2  }
0xb0: {  	[dreg:$0x4] =	wrdreg $0x60000  }
0xb1: {  	[dreg:$0x5] =	wrdreg $0x9  }
0xb2: {  	_ =	task.clear_ibuf [dreg:s7], $0x6FFFF;
	_ =	strace $0x90000049  }
0xb3: {  	s29 =	simm.s32 $0x9;
	_ =	strace $0x8000004B  }
0xb4: {  	_ =	swait.ge [sflag:s29], $0x1  }
0xb5: {  	[sflag:s29] =	ssyncadd.s32 $0xFFFFFFFF  }
0xb6: {  	_ =	strace $0x9000004B  }
0xb7: {  	_ =	sfence  }
0xb8: {  	s30 =	sld [smem:$0x0];
	_ =	sdelay $0x2  }
0xb9: {  	s31 =	sshll.u32 s1, $0xD;
	s1 =	sshrl.u32 s1, $0x2  }
0xba: {  	s3 =	sand.u32 $0x4000, s31;
	s1 =	sadd.s32 s1, s30  }
0xbb: {  	s0 =	sor.u32 s3, s0;
	s1 =	sshll.u32 s1, $0x11  }
0xbc: {  	s0 =	sor.u32 s1, s0  }
0xbd: {  	s0 =	sadd.s32 $0x8F2B, s0  }
0xbe: {  	[sflag:s0] =	ssyncadd.remote.s32 $0x1  }
0xbf: {  	_ =	sfence.sel $0xFFFF  }
0xc0: {  	[dreg:$0x0] =	wrdreg $0xFFFFFFFF;
	(pc) =	sbr.abs _section_cstart, $3  }
0xc1: {  	[dreg:$0x1] =	wrdreg $0xFFFFFFFF  }
0xc2: {  	_ =	task.clear_ibuf [dreg:s7], $0x2FFFF;
	_ =	strace $0x9FFFFFFF  }
0xc3: {  	(tm) =	ssettm $0x7FFFFFFF  }
tec
execute0_lowered:
.L_overlay_start_1:
0x0: {  	(tag) =	ssettag $0x1  }
0x1: {  	s0 =	rddreg [dreg:$0x0]  }
0x2: {  	s1 =	rddreg [dreg:$0x1]  }
0x3: {  	s2 =	rddreg [dreg:$0x2];
	s3 =	srdreg.scid;
	s4 =	simm.s32 $0x0  }
0x4: {  	s11 =	stileid.u32;
	s16 =	simm.s32 $0x6;
	s21 =	simm.s32 $0x2000  }
0x5: {  	s28 =	simm.s32 $0x2;
	s29 =	simm.s32 $0xF80;
	s30 =	simm.s32 $0x1F00  }
0x6: {  	s31 =	simm.s32 $0x1F80;
	s3 =	sand.u32 $0x1, s3;
	s8 =	smul.u32 $0x14000, s11  }
0x7: {  	[smem:$0x7FF] =	sst s4;
	s9 =	smul.u32 $0x50000, s11;
	s5 =	sadd.s32 $0x66400, s0  }
0x8: {  	s6 =	sadd.s32 $0x2400, s0;
	s15 =	sshll.u32 s11, $0x7;
	s7 =	smul.u32 $0x140000, s3  }
0x9: {  	_ =	strace $0x8000004A;
	s22 =	ssub.s32 $0x2, s3;
	p0 =	seq.s32 s3, $0x0  }
0xa: {  	s3 =	sadd.s32 $0xC00, s15;
	s9 =	sshrl.u32 s9, $0x2;
	s7 =	sadd.s32 s8, s7  }
0xb: {  	s10 =	sshrl.u32 s22, $0x1;
	s16 =	simm.s32 @!p0 $0x4;
	s7 =	sshrl.u32 s7, $0x3  }
0xc: {  	s8 =	ssub.s32 s22, s10;
	s0 =	sadd.s32 s7, s0;
	s7 =	sadd.s32 s9, s2  }
0xd: {  	s22 =	simm.s32 $0x3;
	s20 =	smax.u32 s8, $0x1;
	s9 =	sadd.s32 $0x2000, s7  }
0xe: {  	s23 =	sadd.s32 $0x4000, s7;
	s24 =	sadd.s32 $0x6000, s7;
	[dreg:$0x4] =	wrdreg s9  }
0xf: {  	s25 =	sadd.s32 $0x8000, s7;
	s26 =	sadd.s32 $0xA000, s7;
	[dreg:$0x5] =	wrdreg s23  }
0x10: {  	s13 =	sadd.s32 $0xC000, s7;
	s14 =	sadd.s32 $0xE000, s7;
	[dreg:$0x6] =	wrdreg s24  }
0x11: {  	s15 =	sadd.s32 $0x10000, s7;
	[dreg:$0x7] =	wrdreg s25;
	s9 =	smul.u32 $0xC0, s11  }
0x12: {  	s17 =	sadd.s32 $0x12000, s7;
	s19 =	sadd.s32 $0x8E400, s0;
	[dreg:$0x8] =	wrdreg s26  }
0x13: {  	s23 =	simm.s32 $0x1000;
	s24 =	simm.s32 $0x40;
	s3 =	smov.u32 @p0 s9  }
0x14: {  	v0 =	vimm.f32 $0.0e+00;
	s25 =	simm.s32 $0x4000;
	s26 =	simm.s32 $0x1;
	s18 =	sshll.u32 s3, $0x7  }
.LBB2_1:
0x15: {  	s0 =	simm.s32 $0x0;
	s3 =	simm.s32 $0x200  }
.LBB2_2:
0x16: {  	p0 =	sne.s32 s3, $0x7E00;
	[tilespmem:s0+$0x2070] =	vst v0  }
0x17: {  	[tilespmem:s0+$0x2000] =	vst v0  }
0x18: {  	[tilespmem:s0+$0x2010] =	vst v0  }
.Ltmp0:
0x19: {  	[tilespmem:s0+$0x2020] =	vst v0;
	(pc) =	sbr.rel @p0 .LBB2_2-.Ltmp0, $4  }
0x1a: {  	[tilespmem:s0+$0x2030] =	vst v0  }
0x1b: {  	[tilespmem:s0+$0x2040] =	vst v0  }
0x1c: {  	[tilespmem:s0+$0x2050] =	vst v0  }
0x1d: {  	[tilespmem:s0+$0x2060] =	vst v0;
	s0 =	sshra.s32 s3, $0x2;
	s3 =	sadd.s32 $0x200, s3  }
0x1e: {  	[tilespmem:s0+$0x2070] =	vst v0  }
0x1f: {  	[tilespmem:s0+$0x2000] =	vst v0  }
0x20: {  	[tilespmem:s0+$0x2010] =	vst v0  }
0x21: {  	[tilespmem:s0+$0x2020] =	vst v0  }
0x22: {  	[tilespmem:s0+$0x2030] =	vst v0  }
0x23: {  	[tilespmem:s0+$0x2040] =	vst v0  }
0x24: {  	[tilespmem:s0+$0x2050] =	vst v0  }
0x25: {  	[tilespmem:s0+$0x2060] =	vst v0  }
0x26: {  	[spmem:s7] =	stream.linear.scatter [tilespmem:s21], [sflag:$0x3], $0x2000, $0x38;
	[tilespmem:$0x1A000] =	vst v63  }
0x27: {  	_ =	swait.ge [sflag:s22], $0x2000  }
0x28: {  	[sflag:s22] =	ssyncset.done $0x0  }
0x29: {  	s8 =	rddreg [dreg:$0x4];
	[sflag:s22] =	ssyncadd.s32 $0xFFFFE000  }
0x2a: {  	[spmem:s8] =	stream.linear.scatter [tilespmem:s21], [sflag:$0x3], $0x2000, $0x38;
	[tilespmem:$0x1A000] =	vst v63  }
0x2b: {  	_ =	swait.ge [sflag:s22], $0x2000  }
0x2c: {  	[sflag:s22] =	ssyncset.done $0x0  }
0x2d: {  	s9 =	rddreg [dreg:$0x5];
	[sflag:s22] =	ssyncadd.s32 $0xFFFFE000  }
0x2e: {  	[spmem:s9] =	stream.linear.scatter [tilespmem:s21], [sflag:$0x3], $0x2000, $0x38;
	[tilespmem:$0x1A000] =	vst v63  }
0x2f: {  	_ =	swait.ge [sflag:s22], $0x2000  }
0x30: {  	[sflag:s22] =	ssyncset.done $0x0  }
0x31: {  	s10 =	rddreg [dreg:$0x6];
	[sflag:s22] =	ssyncadd.s32 $0xFFFFE000  }
0x32: {  	[spmem:s10] =	stream.linear.scatter [tilespmem:s21], [sflag:$0x3], $0x2000, $0x38;
	[tilespmem:$0x1A000] =	vst v63  }
0x33: {  	_ =	swait.ge [sflag:s22], $0x2000  }
0x34: {  	[sflag:s22] =	ssyncset.done $0x0  }
0x35: {  	s11 =	rddreg [dreg:$0x7];
	[sflag:s22] =	ssyncadd.s32 $0xFFFFE000  }
0x36: {  	[spmem:s11] =	stream.linear.scatter [tilespmem:s21], [sflag:$0x3], $0x2000, $0x38;
	[tilespmem:$0x1A000] =	vst v63  }
0x37: {  	_ =	swait.ge [sflag:s22], $0x2000  }
0x38: {  	[sflag:s22] =	ssyncset.done $0x0  }
0x39: {  	s12 =	rddreg [dreg:$0x8];
	[sflag:s22] =	ssyncadd.s32 $0xFFFFE000  }
0x3a: {  	[spmem:s12] =	stream.linear.scatter [tilespmem:s21], [sflag:$0x3], $0x2000, $0x38;
	[tilespmem:$0x1A000] =	vst v63  }
0x3b: {  	_ =	swait.ge [sflag:s22], $0x2000  }
0x3c: {  	[sflag:s22] =	ssyncset.done $0x0  }
0x3d: {  	[sflag:s22] =	ssyncadd.s32 $0xFFFFE000  }
0x3e: {  	[spmem:s13] =	stream.linear.scatter [tilespmem:s21], [sflag:$0x3], $0x2000, $0x38;
	[tilespmem:$0x1A000] =	vst v63  }
0x3f: {  	_ =	swait.ge [sflag:s22], $0x2000  }
0x40: {  	[sflag:s22] =	ssyncset.done $0x0  }
0x41: {  	[sflag:s22] =	ssyncadd.s32 $0xFFFFE000  }
0x42: {  	[spmem:s14] =	stream.linear.scatter [tilespmem:s21], [sflag:$0x3], $0x2000, $0x38;
	[tilespmem:$0x1A000] =	vst v63  }
0x43: {  	_ =	swait.ge [sflag:s22], $0x2000  }
0x44: {  	[sflag:s22] =	ssyncset.done $0x0  }
0x45: {  	[sflag:s22] =	ssyncadd.s32 $0xFFFFE000  }
0x46: {  	[spmem:s15] =	stream.linear.scatter [tilespmem:s21], [sflag:$0x3], $0x2000, $0x38;
	[tilespmem:$0x1A000] =	vst v63  }
0x47: {  	_ =	swait.ge [sflag:s22], $0x2000  }
0x48: {  	[sflag:s22] =	ssyncset.done $0x0  }
0x49: {  	[sflag:s22] =	ssyncadd.s32 $0xFFFFE000  }
0x4a: {  	[spmem:s17] =	stream.linear.scatter [tilespmem:s21], [sflag:$0x3], $0x2000, $0x38;
	[tilespmem:$0x1A000] =	vst v63  }
0x4b: {  	_ =	swait.ge [sflag:s22], $0x2000  }
0x4c: {  	[sflag:s22] =	ssyncset.done $0x0  }
0x4d: {  	[sflag:s22] =	ssyncadd.s32 $0xFFFFE000  }
0x4e: {  	s0 =	simm.s32 $0x0;
	s3 =	simm.s32 $0x0;
	[bflag:$0x0] =	sbarrier.arrive $0xFFFF  }
.LBB2_4:
0x4f: {  	s8 =	sshll.u32 s3, $0xC  }
0x50: {  	s8 =	sadd.s32 s18, s8  }
0x51: {  	s8 =	sshrl.u32 s8, $0x3  }
0x52: {  	s9 =	sadd.s32 s6, s8  }
0x53: {  	[tilespmem:s0], [sflag:$0x3] =	stream.linear.gather [hbm4b:s9+s0], $0x1000, $0x38;
	[tilespmem:$0x1A000] =	vst v63  }
0x54: {  	_ =	swait.ge [sflag:s22], $0x1000  }
0x55: {  	[sflag:s22] =	ssyncset.done $0x0  }
0x56: {  	s8 =	sadd.s32 s1, s8;
	[sflag:s22] =	ssyncadd.s32 $0xFFFFF000  }
0x57: {  	[tilespmem:s23], [sflag:$0x3] =	stream.linear.gather [hbm4b:s8+s0], $0x1000, $0x38;
	[tilespmem:$0x1A000] =	vst v63  }
0x58: {  	_ =	swait.ge [sflag:s22], $0x1000  }
0x59: {  	[sflag:s22] =	ssyncset.done $0x0  }
0x5a: {  	[sflag:s22] =	ssyncadd.s32 $0xFFFFF000  }
0x5b: {  	[tilespmem:s21], [sflag:$0x1] =	stream.indirect.gather [hbm4b:s5+s24], $0x80, s0, s24, $0xb8;
	[tilespmem:$0x1A000] =	vst v63  }
0x5c: {  	s9 =	simm.s32 $0x80  }
0x5d: {  	[tilespmem:s25], [sflag:$0x2] =	stream.indirect.gather [hbm4b:s5+s24], $0x80, s9, s24, $0xb8;
	[tilespmem:$0x1A000] =	vst v63  }
0x5e: {  	_ =	swait.ge [sflag:s26], $0x2000  }
0x5f: {  	[sflag:s26] =	ssyncset.done $0x0  }
0x60: {  	s10 =	simm.s32 $0x1000;
	[sflag:s26] =	ssyncadd.s32 $0xFFFFE000  }
0x61: {  	[spmem:s2] =	stream.indirect.scatter.add.f32 [tilespmem:s21], [sflag:$0x3], $0x80, s10, s24, $0xb8;
	[tilespmem:$0x1A000] =	vst v63  }
0x62: {  	_ =	swait.ge [sflag:s22], $0x2000  }
0x63: {  	[sflag:s22] =	ssyncset.done $0x0  }
0x64: {  	s11 =	simm.s32 $0x100;
	[sflag:s22] =	ssyncadd.s32 $0xFFFFE000  }
0x65: {  	[tilespmem:s21], [sflag:$0x1] =	stream.indirect.gather [hbm4b:s5+s24], $0x80, s11, s24, $0xb8;
	[tilespmem:$0x1A000] =	vst v63  }
0x66: {  	_ =	swait.ge [sflag:s28], $0x2000  }
0x67: {  	[sflag:s28] =	ssyncset.done $0x0  }
0x68: {  	s12 =	simm.s32 $0x1080;
	[sflag:s28] =	ssyncadd.s32 $0xFFFFE000  }
0x69: {  	[spmem:s2] =	stream.indirect.scatter.add.f32 [tilespmem:s25], [sflag:$0x3], $0x80, s12, s24, $0xb8;
	[tilespmem:$0x1A000] =	vst v63  }
0x6a: {  	_ =	swait.ge [sflag:s22], $0x2000  }
0x6b: {  	s8 =	simm.s32 $0x100;
	s9 =	simm.s32 $0x800;
	[sflag:s22] =	ssyncset.done $0x0  }
.LBB2_5:
0x6c: {  	s10 =	sadd.s32 $0x80, s8  }
0x6d: {  	[sflag:s22] =	ssyncadd.s32 $0xFFFFE000;
	s11 =	smov.u32 s9;
	s12 =	sadd.s32 $0x400, s9  }
0x6e: {  	[tilespmem:s25], [sflag:$0x2] =	stream.indirect.gather [hbm4b:s5+s24], $0x80, s10, s24, $0xb8;
	[tilespmem:$0x1A000] =	vst v63  }
0x6f: {  	p0 =	sne.s32 s9, $0x3800;
	_ =	swait.ge [sflag:s26], $0x2000  }
0x70: {  	[sflag:s26] =	ssyncset.done $0x0  }
0x71: {  	s9 =	sadd.s32 $0x1000, s8;
	[sflag:s26] =	ssyncadd.s32 $0xFFFFE000  }
0x72: {  	[spmem:s2] =	stream.indirect.scatter.add.f32 [tilespmem:s21], [sflag:$0x3], $0x80, s9, s24, $0xb8;
	[tilespmem:$0x1A000] =	vst v63  }
0x73: {  	_ =	swait.ge [sflag:s22], $0x2000  }
0x74: {  	[sflag:s22] =	ssyncset.done $0x0  }
0x75: {  	s9 =	sadd.s32 $0x100, s8;
	[sflag:s22] =	ssyncadd.s32 $0xFFFFE000  }
0x76: {  	[tilespmem:s21], [sflag:$0x1] =	stream.indirect.gather [hbm4b:s5+s24], $0x80, s9, s24, $0xb8;
	[tilespmem:$0x1A000] =	vst v63  }
0x77: {  	_ =	swait.ge [sflag:s28], $0x2000  }
.Ltmp1:
0x78: {  	[sflag:s28] =	ssyncset.done $0x0;
	(pc) =	sbr.rel @p0 .LBB2_5-.Ltmp1, $4  }
0x79: {  	s8 =	sadd.s32 $0x1080, s8;
	[sflag:s28] =	ssyncadd.s32 $0xFFFFE000  }
0x7a: {  	[spmem:s2] =	stream.indirect.scatter.add.f32 [tilespmem:s25], [sflag:$0x3], $0x80, s8, s24, $0xb8;
	[tilespmem:$0x1A000] =	vst v63  }
0x7b: {  	_ =	swait.ge [sflag:s22], $0x2000  }
0x7c: {  	s9 =	smov.u32 s12;
	s8 =	sshra.s32 s11, $0x2;
	[sflag:s22] =	ssyncset.done $0x0  }
0x7d: {  	s9 =	sadd.s32 $0x80, s8;
	[sflag:s22] =	ssyncadd.s32 $0xFFFFE000  }
0x7e: {  	[tilespmem:s25], [sflag:$0x2] =	stream.indirect.gather [hbm4b:s5+s24], $0x80, s9, s24, $0xb8;
	[tilespmem:$0x1A000] =	vst v63  }
0x7f: {  	_ =	swait.ge [sflag:s26], $0x2000  }
0x80: {  	[sflag:s26] =	ssyncset.done $0x0  }
0x81: {  	s10 =	sadd.s32 $0x1000, s8;
	[sflag:s26] =	ssyncadd.s32 $0xFFFFE000  }
0x82: {  	[spmem:s2] =	stream.indirect.scatter.add.f32 [tilespmem:s21], [sflag:$0x3], $0x80, s10, s24, $0xb8;
	[tilespmem:$0x1A000] =	vst v63  }
0x83: {  	_ =	swait.ge [sflag:s22], $0x2000  }
0x84: {  	[sflag:s22] =	ssyncset.done $0x0  }
0x85: {  	s11 =	sadd.s32 $0x100, s8;
	[sflag:s22] =	ssyncadd.s32 $0xFFFFE000  }
0x86: {  	[tilespmem:s21], [sflag:$0x1] =	stream.indirect.gather [hbm4b:s5+s24], $0x80, s11, s24, $0xb8;
	[tilespmem:$0x1A000] =	vst v63  }
0x87: {  	_ =	swait.ge [sflag:s28], $0x2000  }
0x88: {  	[sflag:s28] =	ssyncset.done $0x0  }
0x89: {  	s12 =	sadd.s32 $0x1080, s8;
	[sflag:s28] =	ssyncadd.s32 $0xFFFFE000  }
0x8a: {  	[spmem:s2] =	stream.indirect.scatter.add.f32 [tilespmem:s25], [sflag:$0x3], $0x80, s12, s24, $0xb8;
	[tilespmem:$0x1A000] =	vst v63  }
0x8b: {  	_ =	swait.ge [sflag:s22], $0x2000  }
0x8c: {  	[sflag:s22] =	ssyncset.done $0x0  }
0x8d: {  	[sflag:s22] =	ssyncadd.s32 $0xFFFFE000  }
0x8e: {  	[tilespmem:s25], [sflag:$0x2] =	stream.indirect.gather [hbm4b:s5+s24], $0x80, s29, s24, $0xb8;
	[tilespmem:$0x1A000] =	vst v63  }
0x8f: {  	_ =	swait.ge [sflag:s26], $0x2000  }
0x90: {  	[sflag:s26] =	ssyncset.done $0x0  }
0x91: {  	[sflag:s26] =	ssyncadd.s32 $0xFFFFE000  }
0x92: {  	[spmem:s2] =	stream.indirect.scatter.add.f32 [tilespmem:s21], [sflag:$0x3], $0x80, s30, s24, $0xb8;
	[tilespmem:$0x1A000] =	vst v63  }
0x93: {  	_ =	swait.ge [sflag:s22], $0x2000  }
0x94: {  	[sflag:s22] =	ssyncset.done $0x0  }
0x95: {  	[sflag:s22] =	ssyncadd.s32 $0xFFFFE000  }
0x96: {  	s3 =	sadd.s32 $0x1, s3;
	_ =	swait.ge [sflag:s28], $0x2000  }
0x97: {  	p0 =	sne.s32 s3, s16;
	[sflag:s28] =	ssyncset.done $0x0  }
.Ltmp2:
0x98: {  	[sflag:s28] =	ssyncadd.s32 $0xFFFFE000;
	(pc) =	sbr.rel @p0 .LBB2_4-.Ltmp2, $4  }
0x99: {  	[spmem:s2] =	stream.indirect.scatter.add.f32 [tilespmem:s25], [sflag:$0x3], $0x80, s31, s24, $0xb8;
	[tilespmem:$0x1A000] =	vst v63  }
0x9a: {  	_ =	swait.ge [sflag:s22], $0x2000  }
0x9b: {  	[sflag:s22] =	ssyncset.done $0x0  }
0x9c: {  	[sflag:s22] =	ssyncadd.s32 $0xFFFFE000  }
0x9d: {  	s0 =	stileid.u32;
	s4 =	sadd.s32 $0x1, s4  }
0x9e: {  	[bflag:$0x0] =	sbarrier.arrive $0xFFFF;
	s0 =	sshll.u32 s0, $0x6;
	p0 =	sne.s32 s4, s20  }
.Ltmp3:
0x9f: {  	s3 =	sshrl.u32 s7, $0x3;
	s0 =	sor.u32 $0x1C03, s0;
	(pc) =	sbr.rel @p0 .LBB2_1-.Ltmp3, $4  }
0xa0: {  	[hbm:s19], [sflag:s0] =	dma.local [spmem:s3], $0x2800  }
0xa1: {  	_ =	swait.ge [sflag:s22], $0x2800  }
0xa2: {  	[sflag:s22] =	ssyncset.done $0x0  }
0xa3: {  	[sflag:s22] =	ssyncadd.s32 $0xFFFFD800  }
0xa4: {  	_ =	sfence.sel $0x180000  }
0xa5: {  	[bflag:$0x0] =	sbarrier.arrive $0xFFFF  }
0xa6: {  	_ =	strace $0x9000004A  }
0xa7: {  	s0 =	stileid.u32;
	[bflag:$0x2] =	sbarrier.arrive $0xFFFF  }
0xa8: {  	p0 =	sne.s32 s0, $0x0;
	s0 =	rddreg [dreg:$0x3]  }
0xa9: {  	s0 =	sadd.s32 @!p0 $0x100000, s0  }
0xaa: {  	[sflag:s0] =	ssyncadd.tile.s32 @!p0 $0x1;
	_ =	shalt  }
.Lfunc_end2:
_tile_overlayer_lowered:
.L_overlay_start_2:
0xab: {  	(tag) =	ssettag $0x2  }
0xac: {  	s0 =	rddreg [dreg:$0x0];
	s2 =	stileid.u32  }
0xad: {  	s1 =	rddreg [dreg:$0x1];
	p0 =	sne.s32 s2, $0x0  }
0xae: {  	s3 =	rddreg [dreg:$0x2];
	[bflag:$0x3] =	sbarrier.arrive $0xFFFF;
	s2 =	simm.s32 @!p0 $0x1C03  }
0xaf: {  	[timem:s3], [sflag:s2] =	dma.local @!p0 [hbm:s0], s1  }
0xb0: {  	s0 =	simm.s32 @!p0 $0x3  }
0xb1: {  	_ =	swait.ge @!p0 [sflag:s0], s1  }
0xb2: {  	s1 =	ssub.s32 @!p0 $0x0, s1;
	[sflag:s0] =	ssyncset.done @!p0 $0x0  }
0xb3: {  	[sflag:s0] =	ssyncadd.s32 @!p0 s1  }
0xb4: {  	[bflag:$0x3] =	sbarrier.arrive $0xFFFF  }
0xb5: {  	_ =	shalt  }

</sc_bundles>
